<compile_context>
chip_gen: v7x
topology: tpu7x:2x2x1
jax: 0.10.2.dev20260603
libtpu: 0.0.44.dev20260713+nightly
codegen_flags: <defaults>
</compile_context>

<pallas_src>
import functools

import jax
import jax.numpy as jnp
from jax import lax
from jax.experimental import pallas as pl
from jax.experimental.pallas import tpu as pltpu
from jax.experimental.pallas import tpu_sc as plsc

N_NODES = 10000
N_PAD = 10240
N_REL = 4
E_TOT = 160000
LANES = 16
NC = 2
NSUB = 16
NW = NC * NSUB
E_TILES = E_TOT // 128
CT_PER_W = E_TILES // NW
CT_REM = E_TILES - CT_PER_W * NW
EPT_MAX = (CT_PER_W + CT_REM) * 128
GROUPS = EPT_MAX // LANES
HIST_ROWS = 2 * N_REL * N_PAD // 128


@functools.cache
def _get_sc_hist():
    mesh = plsc.VectorSubcoreMesh(core_axis_name="c", subcore_axis_name="s")
    return functools.partial(
        pl.kernel,
        mesh=mesh,
        out_type=jax.ShapeDtypeStruct((NC * HIST_ROWS, 128), jnp.float32),
        compiler_params=pltpu.CompilerParams(needs_layout_passes=False),
        scratch_types=[
            pltpu.VMEM((HIST_ROWS, 128), jnp.float32),
            pltpu.VMEM((2, EPT_MAX), jnp.int32),
            pltpu.VMEM((EPT_MAX,), jnp.int32),
            pltpu.VMEM((HIST_ROWS,), jnp.int32),
            pltpu.VMEM_SHARED((HIST_ROWS, 128), jnp.float32),
        ],
    )(_sc_hist)


def _sc_hist(ei_hbm, typ_hbm, out_hbm, hist, s_ei, s_typ, rowidx, shared):
    cid = lax.axis_index("c")
    sid = lax.axis_index("s")
    wid = sid * NC + cid
    base = wid * (CT_PER_W * 128)
    count = jnp.where(wid == NW - 1, EPT_MAX, CT_PER_W * 128)

    zeros16 = jnp.zeros((LANES,), jnp.float32)

    @plsc.parallel_loop(0, HIST_ROWS, unroll=2)
    def _zero(i):
        for j in range(8):
            hist[i, pl.ds(j * LANES, LANES)] = zeros16

    lane = lax.iota(jnp.int32, LANES)

    rows_per_tile = HIST_ROWS // NSUB
    pltpu.sync_copy(hist.at[pl.ds(sid * rows_per_tile, rows_per_tile)],
                    shared.at[pl.ds(sid * rows_per_tile, rows_per_tile)])

    @plsc.parallel_loop(0, HIST_ROWS // LANES, unroll=2)
    def _iota(g):
        rowidx[pl.ds(g * LANES, LANES)] = g * LANES + lane

    pltpu.sync_copy(ei_hbm.at[:, pl.ds(base, EPT_MAX)], s_ei)
    pltpu.sync_copy(typ_hbm.at[pl.ds(base, EPT_MAX)], s_typ)

    ones16 = jnp.full((LANES,), 1.0, jnp.float32)

    @plsc.parallel_loop(0, GROUPS, unroll=4)
    def _scatter(i):
        off = i * LANES
        msk = lane < jnp.minimum(count - off, LANES)
        sr = s_ei[0, pl.ds(off, LANES)]
        ds_ = s_ei[1, pl.ds(off, LANES)]
        ty = s_typ[pl.ds(off, LANES)]
        row1 = ((ds_ >> 7) << 3) + ty
        plsc.addupdate_scatter(hist, [row1, ds_ & 127], ones16, mask=msk)
        row2 = ((sr >> 7) << 3) + (N_REL + ty)
        plsc.addupdate_scatter(hist, [row2, sr & 127], ones16,
                               mask=msk & (ds_ == 0))

    plsc.subcore_barrier()
    pltpu.sync_copy(hist, shared.at[rowidx], add=True)
    plsc.subcore_barrier()
    pltpu.sync_copy(
        shared.at[pl.ds(sid * rows_per_tile, rows_per_tile)],
        out_hbm.at[pl.ds(cid * HIST_ROWS + sid * rows_per_tile,
                         rows_per_tile)])


def _tc_body(h_ref, x_ref, cw_ref, w0_ref, gate_ref, mem_ref,
             wgt_ref, bg_ref, wst_ref, bs_ref, pg_ref, ps_ref):
    h = h_ref[...].reshape(NC, HIST_ROWS, 128)
    hsum = jnp.sum(h, axis=0)
    h3 = hsum.reshape(N_PAD // 128, 2 * N_REL, 128)
    dinv3 = lax.rsqrt(h3[:, 0:N_REL, :] + 1.0)
    c3 = h3[:, N_REL:2 * N_REL, :] * dinv3

    x = x_ref[...]
    xp = jnp.concatenate(
        [x, jnp.zeros((N_PAD - N_NODES, x.shape[1]), jnp.float32)], axis=0)
    x3 = xp.reshape(N_PAD // 128, 128, x.shape[1])
    sb = lax.dot_general(c3, x3, (((2,), (1,)), ((0,), (0,))),
                         preferred_element_type=jnp.float32)
    s = jnp.sum(sb, axis=0)

    dinv0 = dinv3[0, :, 0:1]
    x0 = x[0:1, :]
    y = dinv0 * s + (dinv0 * dinv0) * x0

    comp = jnp.zeros((1, x.shape[1]), jnp.float32)
    for r in range(N_REL):
        comp = comp + lax.dot_general(
            y[r:r + 1, :], cw_ref[r],
            (((1,), (1,)), ((), ())),
            preferred_element_type=jnp.float32)

    prev = jnp.dot(x0, w0_ref[...], preferred_element_type=jnp.float32)
    g = gate_ref[...]
    rg = g * (comp + prev) + (1.0 - g) * mem_ref[...]
    x1 = jnp.maximum(rg, 0.0)

    def head(wt_ref, b_ref, o_ref):
        logits = lax.dot_general(
            x1, wt_ref[...], (((1,), (1,)), ((), ())),
            preferred_element_type=jnp.float32) + b_ref[...]
        mx = jnp.max(logits, axis=1, keepdims=True)
        lse = jnp.log(jnp.sum(jnp.exp(logits - mx), axis=1,
                              keepdims=True)) + mx
        o_ref[...] = logits - lse

    head(wgt_ref, bg_ref, pg_ref)
    head(wst_ref, bs_ref, ps_ref)


def kernel(x, edge_index, edge_type, conv_W, W0, update_gate,
           lin2g_W, lin2g_b, lin2s_W, lin2s_b, memory_prev):
    hist = _get_sc_hist()(edge_index, edge_type)

    ng = lin2g_W.shape[0]
    ns = lin2s_W.shape[0]
    pg, ps = pl.pallas_call(
        _tc_body,
        out_shape=(
            jax.ShapeDtypeStruct((1, ng), jnp.float32),
            jax.ShapeDtypeStruct((1, ns), jnp.float32),
        ),
    )(hist, x, conv_W, W0,
      update_gate.reshape(1, 1), memory_prev.reshape(1, -1),
      lin2g_W, lin2g_b.reshape(1, -1),
      lin2s_W, lin2s_b.reshape(1, -1))
    return (pg, ps)

# --- scband reference (transcript-rebuilt; emitter-appended) ---
"""Pipeline reference for scband-composite-one-gru-83958020702636 (READ-ONLY COPY).

The authoritative reference and input builder live on the scoring server;
editing this copy changes nothing except your own understanding.
"""

import jax, jax.numpy as jnp
import numpy as np

N = 10000
D = 128
E = 160000
R = 4
N_SENSES = 4096
N_GLOBALS = 16384


def gcn_conv(x, W, src, dst, mask):
    # Faithful PyG GCNConv (bias=False, add_self_loops=True) restricted to the
    # masked (per-relation) edge subset, matching split_edge_index semantics.
    n = x.shape[0]
    h = x @ W.T  # PyG Linear weight is [out, in]
    deg = jnp.zeros((n,), x.dtype).at[dst].add(mask) + 1.0  # +1 for self loops
    dinv = deg ** -0.5
    norm = dinv[src] * dinv[dst] * mask
    out = jnp.zeros_like(h).at[dst].add(norm[:, None] * h[src])
    out = out + (dinv * dinv)[:, None] * h  # self-loop messages
    return out


def setup_inputs(seed: int = 0):
    key = jax.random.key(seed)
    ks = jax.random.split(key, 10)
    x = jax.random.normal(ks[0], (N, D), dtype=jnp.float32)
    edge_index = jax.random.randint(ks[1], (2, E), 0, N, dtype=jnp.int32)
    edge_type = jnp.sort(jax.random.randint(ks[2], (E,), 0, R, dtype=jnp.int32))
    conv_W = jax.random.normal(ks[3], (R, D, D), dtype=jnp.float32) * (1.0 / np.sqrt(D))
    W0 = jax.random.normal(ks[4], (D, D), dtype=jnp.float32) * (1.0 / np.sqrt(D))
    update_gate = jnp.ones((1,), jnp.float32)
    lin2g_W = jax.random.normal(ks[5], (N_GLOBALS, D), dtype=jnp.float32) * 0.02
    lin2g_b = jnp.zeros((N_GLOBALS,), jnp.float32)
    lin2s_W = jax.random.normal(ks[6], (N_SENSES, D), dtype=jnp.float32) * 0.02
    lin2s_b = jnp.zeros((N_SENSES,), jnp.float32)
    memory_prev = jnp.zeros((D,), jnp.float32)
    return {"x": x, "edge_index": edge_index, "edge_type": edge_type,
            "conv_W": conv_W, "W0": W0, "update_gate": update_gate,
            "lin2g_W": lin2g_W, "lin2g_b": lin2g_b,
            "lin2s_W": lin2s_W, "lin2s_b": lin2s_b,
            "memory_prev": memory_prev}


def reference(x, edge_index, edge_type, conv_W, W0, update_gate,
              lin2g_W, lin2g_b, lin2s_W, lin2s_b, memory_prev):
    # batchinput_ls with a single (x, edge_index, edge_type) sample
    src = edge_index[0]
    dst = edge_index[1]
    rels = [gcn_conv(x, conv_W[r], src, dst, (edge_type == r).astype(x.dtype))
            for r in range(conv_W.shape[0])]
    A0 = jnp.eye(x.shape[0], dtype=x.dtype)
    prevlayer = A0 @ (x @ W0)
    composite = rels[0]
    for t in rels[1:]:
        composite = composite + t
    proposed = composite + prevlayer
    rgcn = update_gate * proposed + (1.0 - update_gate) * memory_prev
    x_next = jax.nn.relu(rgcn)
    x1 = x_next[0]
    logits_g = lin2g_W @ x1 + lin2g_b
    logits_s = lin2s_W @ x1 + lin2s_b
    pg = jax.nn.log_softmax(logits_g, axis=0)
    ps = jax.nn.log_softmax(logits_s, axis=0)
    return (pg[None, :], ps[None, :])

if __name__ == "__main__":
    import jax
    _d = setup_inputs()
    print(jax.jit(kernel)(*tuple(_d.values())))

</pallas_src>

<mosaic_0001>
#map = affine_map<(d0, d1) -> (0, 0)>
#map1 = affine_map<(d0, d1) -> (0)>
module attributes {stable_mosaic.version = 14 : i64} {
  func.func @_sc_hist(%arg0: i32, %arg1: i32, %arg2: memref<2x160000xi32, #tpu.memory_space<hbm>>, %arg3: memref<160000xi32, #tpu.memory_space<hbm>>, %arg4: memref<1280x128xf32, #tpu.memory_space<hbm>>, %arg5: memref<640x128xf32, #tpu.memory_space<vmem>>, %arg6: memref<2x5248xi32, #tpu.memory_space<vmem>>, %arg7: memref<5248xi32, #tpu.memory_space<vmem>>, %arg8: memref<640xi32, #tpu.memory_space<vmem>>, %arg9: memref<640x128xf32, #tpu.memory_space<vmem_shared>>) attributes {dimension_semantics = [#tpu.dimension_semantics<core_parallel>, #tpu.dimension_semantics<subcore_parallel>], iteration_bounds = array<i64: 2, 16>, scalar_prefetch = 0 : i64, scratch_operands = 5 : i64, tpu.core_type = #tpu.core_type<sc_vector_subcore>, window_params = [{transform_indices = #map}, {transform_indices = #map1}, {transform_indices = #map}]} {
    %mul3A = arith.constant 2 : i32
    %mul3A_0 = arith.muli %arg1, %mul3A : i32
    %add3A = arith.addi %mul3A_0, %arg0 : i32
    %mul3A_1 = arith.constant 4992 : i32
    %mul3A_2 = arith.muli %add3A, %mul3A_1 : i32
    %eq3A = arith.constant 31 : i32
    %eq3A_3 = arith.cmpi eq, %add3A, %eq3A : i32
    %jit3A = arith.constant 5248 : i32
    %jit3A_4 = arith.constant 4992 : i32
    %select_n3A = arith.select %eq3A_3, %jit3A, %jit3A_4 : i32
    %broadcast_in_dim3A = arith.constant 0.000000e+00 : f32
    %broadcast_in_dim3A_5 = vector.broadcast %broadcast_in_dim3A : f32 to vector<16xf32>
    %parallel_loop3A = arith.constant 0 : i32
    %parallel_loop3A_6 = arith.constant 640 : i32
    %parallel_loop3A_7 = arith.constant 1 : i32
    scf.for %parallel_loop3A_28 = %parallel_loop3A to %parallel_loop3A_6 step %parallel_loop3A_7  : i32 {
      %parallel_loop3A_29 = arith.index_cast %parallel_loop3A_28 : i32 to index
      %parallel_loop3A_30 = arith.constant 0 : index
      %parallel_loop3A_31 = tpu.vector_load %arg5[%parallel_loop3A_29, %parallel_loop3A_30] {strides = array<i32>} : memref<640x128xf32, #tpu.memory_space<vmem>>, vector<16xf32>,
      tpu.vector_store %arg5[%parallel_loop3A_29, %parallel_loop3A_30], %broadcast_in_dim3A_5 {strides = array<i32>} : memref<640x128xf32, #tpu.memory_space<vmem>>, vector<16xf32>,
      %parallel_loop3A_32 = arith.index_cast %parallel_loop3A_28 : i32 to index
      %parallel_loop3A_33 = arith.constant 16 : index
      %parallel_loop3A_34 = tpu.vector_load %arg5[%parallel_loop3A_32, %parallel_loop3A_33] {strides = array<i32>} : memref<640x128xf32, #tpu.memory_space<vmem>>, vector<16xf32>,
      tpu.vector_store %arg5[%parallel_loop3A_32, %parallel_loop3A_33], %broadcast_in_dim3A_5 {strides = array<i32>} : memref<640x128xf32, #tpu.memory_space<vmem>>, vector<16xf32>,
      %parallel_loop3A_35 = arith.index_cast %parallel_loop3A_28 : i32 to index
      %parallel_loop3A_36 = arith.constant 32 : index
      %parallel_loop3A_37 = tpu.vector_load %arg5[%parallel_loop3A_35, %parallel_loop3A_36] {strides = array<i32>} : memref<640x128xf32, #tpu.memory_space<vmem>>, vector<16xf32>,
      tpu.vector_store %arg5[%parallel_loop3A_35, %parallel_loop3A_36], %broadcast_in_dim3A_5 {strides = array<i32>} : memref<640x128xf32, #tpu.memory_space<vmem>>, vector<16xf32>,
      %parallel_loop3A_38 = arith.index_cast %parallel_loop3A_28 : i32 to index
      %parallel_loop3A_39 = arith.constant 48 : index
      %parallel_loop3A_40 = tpu.vector_load %arg5[%parallel_loop3A_38, %parallel_loop3A_39] {strides = array<i32>} : memref<640x128xf32, #tpu.memory_space<vmem>>, vector<16xf32>,
      tpu.vector_store %arg5[%parallel_loop3A_38, %parallel_loop3A_39], %broadcast_in_dim3A_5 {strides = array<i32>} : memref<640x128xf32, #tpu.memory_space<vmem>>, vector<16xf32>,
      %parallel_loop3A_41 = arith.index_cast %parallel_loop3A_28 : i32 to index
      %parallel_loop3A_42 = arith.constant 64 : index
      %parallel_loop3A_43 = tpu.vector_load %arg5[%parallel_loop3A_41, %parallel_loop3A_42] {strides = array<i32>} : memref<640x128xf32, #tpu.memory_space<vmem>>, vector<16xf32>,
      tpu.vector_store %arg5[%parallel_loop3A_41, %parallel_loop3A_42], %broadcast_in_dim3A_5 {strides = array<i32>} : memref<640x128xf32, #tpu.memory_space<vmem>>, vector<16xf32>,
      %parallel_loop3A_44 = arith.index_cast %parallel_loop3A_28 : i32 to index
      %parallel_loop3A_45 = arith.constant 80 : index
      %parallel_loop3A_46 = tpu.vector_load %arg5[%parallel_loop3A_44, %parallel_loop3A_45] {strides = array<i32>} : memref<640x128xf32, #tpu.memory_space<vmem>>, vector<16xf32>,
      tpu.vector_store %arg5[%parallel_loop3A_44, %parallel_loop3A_45], %broadcast_in_dim3A_5 {strides = array<i32>} : memref<640x128xf32, #tpu.memory_space<vmem>>, vector<16xf32>,
      %parallel_loop3A_47 = arith.index_cast %parallel_loop3A_28 : i32 to index
      %parallel_loop3A_48 = arith.constant 96 : index
      %parallel_loop3A_49 = tpu.vector_load %arg5[%parallel_loop3A_47, %parallel_loop3A_48] {strides = array<i32>} : memref<640x128xf32, #tpu.memory_space<vmem>>, vector<16xf32>,
      tpu.vector_store %arg5[%parallel_loop3A_47, %parallel_loop3A_48], %broadcast_in_dim3A_5 {strides = array<i32>} : memref<640x128xf32, #tpu.memory_space<vmem>>, vector<16xf32>,
      %parallel_loop3A_50 = arith.index_cast %parallel_loop3A_28 : i32 to index
      %parallel_loop3A_51 = arith.constant 112 : index
      %parallel_loop3A_52 = tpu.vector_load %arg5[%parallel_loop3A_50, %parallel_loop3A_51] {strides = array<i32>} : memref<640x128xf32, #tpu.memory_space<vmem>>, vector<16xf32>,
      tpu.vector_store %arg5[%parallel_loop3A_50, %parallel_loop3A_51], %broadcast_in_dim3A_5 {strides = array<i32>} : memref<640x128xf32, #tpu.memory_space<vmem>>, vector<16xf32>,
    } {sc.loop_unroll_factor = 2 : i64, sc.parallel_access}
    %iota3A = tpu.iota {dimensions = array<i32: 0>} : vector<16xi32>
    %mul3A_8 = arith.constant 40 : i32
    %mul3A_9 = arith.muli %arg1, %mul3A_8 : i32
    %mul3A_10 = arith.constant 40 : i32
    %mul3A_11 = arith.muli %arg1, %mul3A_10 : i32
    "tpu.region"() ({
      %run_scoped3A = tpu.sem_alloc : memref<!tpu.dma_semaphore, #tpu.memory_space<semaphore_mem>>
      %dma_start3A = arith.constant 0 : i32
      %dma_start3A_28 = tpu.memref_slice %arg5[%mul3A_9, %dma_start3A] : memref<640x128xf32, #tpu.memory_space<vmem>> -> memref<40x128xf32, #tpu.memory_space<vmem>>
      %dma_start3A_29 = arith.constant 0 : i32
      %dma_start3A_30 = tpu.memref_slice %arg9[%mul3A_11, %dma_start3A_29] : memref<640x128xf32, #tpu.memory_space<vmem_shared>> -> memref<40x128xf32, #tpu.memory_space<vmem_shared>>
      %dma_start3A_31 = arith.constant 0 : i32
      %dma_start3A_32 = tpu.memref_slice %arg9[%mul3A_11, %dma_start3A_31] : memref<640x128xf32, #tpu.memory_space<vmem_shared>> -> memref<40x128xf32, #tpu.memory_space<vmem_shared>>
      %dma_start3A_33 = arith.constant 0 : i32
      %dma_start3A_34 = tpu.memref_slice %arg5[%mul3A_9, %dma_start3A_33] : memref<640x128xf32, #tpu.memory_space<vmem>> -> memref<40x128xf32, #tpu.memory_space<vmem>>
      tpu.enqueue_dma source(%dma_start3A_34 : memref<40x128xf32, #tpu.memory_space<vmem>>) target(%dma_start3A_32 : memref<40x128xf32, #tpu.memory_space<vmem_shared>>) target_semaphore(%run_scoped3A : memref<!tpu.dma_semaphore, #tpu.memory_space<semaphore_mem>>)
      %dma_wait3A = arith.constant 0 : i32
      %dma_wait3A_35 = tpu.memref_slice %arg5[%mul3A_9, %dma_wait3A] : memref<640x128xf32, #tpu.memory_space<vmem>> -> memref<40x128xf32, #tpu.memory_space<vmem>>
      %dma_wait3A_36 = arith.constant 0 : i32
      %dma_wait3A_37 = tpu.memref_slice %arg9[%mul3A_11, %dma_wait3A_36] : memref<640x128xf32, #tpu.memory_space<vmem_shared>> -> memref<40x128xf32, #tpu.memory_space<vmem_shared>>
      %dma_wait3A_38 = arith.constant 0 : i32
      %dma_wait3A_39 = tpu.memref_slice %arg9[%mul3A_11, %dma_wait3A_38] : memref<640x128xf32, #tpu.memory_space<vmem_shared>> -> memref<40x128xf32, #tpu.memory_space<vmem_shared>>
      %dma_wait3A_40 = arith.constant 0 : i32
      %dma_wait3A_41 = tpu.memref_slice %arg5[%mul3A_9, %dma_wait3A_40] : memref<640x128xf32, #tpu.memory_space<vmem>> -> memref<40x128xf32, #tpu.memory_space<vmem>>
      tpu.wait_dma2 semaphore(%run_scoped3A : memref<!tpu.dma_semaphore, #tpu.memory_space<semaphore_mem>>) src(%dma_wait3A_41 : memref<40x128xf32, #tpu.memory_space<vmem>>) dst(%dma_wait3A_39 : memref<40x128xf32, #tpu.memory_space<vmem_shared>>)
      tpu.yield
    }) : () -> ()
    %parallel_loop3A_12 = arith.constant 0 : i32
    %parallel_loop3A_13 = arith.constant 40 : i32
    %parallel_loop3A_14 = arith.constant 1 : i32
    scf.for %parallel_loop3A_28 = %parallel_loop3A_12 to %parallel_loop3A_13 step %parallel_loop3A_14  : i32 {
      %parallel_loop3A_29 = arith.constant 16 : i32
      %parallel_loop3A_30 = arith.muli %parallel_loop3A_28, %parallel_loop3A_29 : i32
      %parallel_loop3A_31 = vector.broadcast %parallel_loop3A_30 : i32 to vector<16xi32>
      %parallel_loop3A_32 = arith.addi %parallel_loop3A_31, %iota3A : vector<16xi32>
      %parallel_loop3A_33 = arith.constant 16 : i32
      %parallel_loop3A_34 = arith.muli %parallel_loop3A_28, %parallel_loop3A_33 : i32
      %parallel_loop3A_35 = arith.index_cast %parallel_loop3A_34 : i32 to index
      %parallel_loop3A_36 = tpu.vector_load %arg8[%parallel_loop3A_35] {strides = array<i32>} : memref<640xi32, #tpu.memory_space<vmem>>, vector<16xi32>,
      tpu.vector_store %arg8[%parallel_loop3A_35], %parallel_loop3A_32 {strides = array<i32>} : memref<640xi32, #tpu.memory_space<vmem>>, vector<16xi32>,
    } {sc.loop_unroll_factor = 2 : i64, sc.parallel_access}
    "tpu.region"() ({
      %run_scoped3A = tpu.sem_alloc : memref<!tpu.dma_semaphore, #tpu.memory_space<semaphore_mem>>
      %dma_start3A = arith.constant 0 : i32
      %dma_start3A_28 = tpu.memref_slice %arg2[%dma_start3A, %mul3A_2] : memref<2x160000xi32, #tpu.memory_space<hbm>> -> memref<2x5248xi32, #tpu.memory_space<hbm>>
      %dma_start3A_29 = arith.constant 0 : i32
      %dma_start3A_30 = tpu.memref_slice %arg2[%dma_start3A_29, %mul3A_2] : memref<2x160000xi32, #tpu.memory_space<hbm>> -> memref<2x5248xi32, #tpu.memory_space<hbm>>
      tpu.enqueue_dma source(%dma_start3A_30 : memref<2x5248xi32, #tpu.memory_space<hbm>>) target(%arg6 : memref<2x5248xi32, #tpu.memory_space<vmem>>) target_semaphore(%run_scoped3A : memref<!tpu.dma_semaphore, #tpu.memory_space<semaphore_mem>>)
      %dma_wait3A = arith.constant 0 : i32
      %dma_wait3A_31 = tpu.memref_slice %arg2[%dma_wait3A, %mul3A_2] : memref<2x160000xi32, #tpu.memory_space<hbm>> -> memref<2x5248xi32, #tpu.memory_space<hbm>>
      %dma_wait3A_32 = arith.constant 0 : i32
      %dma_wait3A_33 = tpu.memref_slice %arg2[%dma_wait3A_32, %mul3A_2] : memref<2x160000xi32, #tpu.memory_space<hbm>> -> memref<2x5248xi32, #tpu.memory_space<hbm>>
      tpu.wait_dma2 semaphore(%run_scoped3A : memref<!tpu.dma_semaphore, #tpu.memory_space<semaphore_mem>>) src(%dma_wait3A_33 : memref<2x5248xi32, #tpu.memory_space<hbm>>) dst(%arg6 : memref<2x5248xi32, #tpu.memory_space<vmem>>)
      tpu.yield
    }) : () -> ()
    "tpu.region"() ({
      %run_scoped3A = tpu.sem_alloc : memref<!tpu.dma_semaphore, #tpu.memory_space<semaphore_mem>>
      %dma_start3A = tpu.memref_slice %arg3[%mul3A_2] : memref<160000xi32, #tpu.memory_space<hbm>> -> memref<5248xi32, #tpu.memory_space<hbm>>
      %dma_start3A_28 = tpu.memref_slice %arg3[%mul3A_2] : memref<160000xi32, #tpu.memory_space<hbm>> -> memref<5248xi32, #tpu.memory_space<hbm>>
      tpu.enqueue_dma source(%dma_start3A_28 : memref<5248xi32, #tpu.memory_space<hbm>>) target(%arg7 : memref<5248xi32, #tpu.memory_space<vmem>>) target_semaphore(%run_scoped3A : memref<!tpu.dma_semaphore, #tpu.memory_space<semaphore_mem>>)
      %dma_wait3A = tpu.memref_slice %arg3[%mul3A_2] : memref<160000xi32, #tpu.memory_space<hbm>> -> memref<5248xi32, #tpu.memory_space<hbm>>
      %dma_wait3A_29 = tpu.memref_slice %arg3[%mul3A_2] : memref<160000xi32, #tpu.memory_space<hbm>> -> memref<5248xi32, #tpu.memory_space<hbm>>
      tpu.wait_dma2 semaphore(%run_scoped3A : memref<!tpu.dma_semaphore, #tpu.memory_space<semaphore_mem>>) src(%dma_wait3A_29 : memref<5248xi32, #tpu.memory_space<hbm>>) dst(%arg7 : memref<5248xi32, #tpu.memory_space<vmem>>)
      tpu.yield
    }) : () -> ()
    %broadcast_in_dim3A_15 = arith.constant 1.000000e+00 : f32
    %broadcast_in_dim3A_16 = vector.broadcast %broadcast_in_dim3A_15 : f32 to vector<16xf32>
    %parallel_loop3A_17 = arith.constant 0 : i32
    %parallel_loop3A_18 = arith.constant 328 : i32
    %parallel_loop3A_19 = arith.constant 1 : i32
    scf.for %parallel_loop3A_28 = %parallel_loop3A_17 to %parallel_loop3A_18 step %parallel_loop3A_19  : i32 {
      %parallel_loop3A_29 = arith.constant 16 : i32
      %parallel_loop3A_30 = arith.muli %parallel_loop3A_28, %parallel_loop3A_29 : i32
      %parallel_loop3A_31 = arith.subi %select_n3A, %parallel_loop3A_30 : i32
      %parallel_loop3A_32 = arith.constant 16 : i32
      %parallel_loop3A_33 = arith.minsi %parallel_loop3A_31, %parallel_loop3A_32 : i32
      %parallel_loop3A_34 = vector.broadcast %parallel_loop3A_33 : i32 to vector<16xi32>
      %parallel_loop3A_35 = arith.cmpi slt, %iota3A, %parallel_loop3A_34 : vector<16xi32>
      %parallel_loop3A_36 = arith.constant 0 : i32
      %parallel_loop3A_37 = arith.index_cast %parallel_loop3A_36 : i32 to index
      %parallel_loop3A_38 = arith.index_cast %parallel_loop3A_30 : i32 to index
      %parallel_loop3A_39 = tpu.vector_load %arg6[%parallel_loop3A_37, %parallel_loop3A_38] {strides = array<i32>} : memref<2x5248xi32, #tpu.memory_space<vmem>>, vector<16xi32>,
      %parallel_loop3A_40 = arith.constant 1 : i32
      %parallel_loop3A_41 = arith.index_cast %parallel_loop3A_40 : i32 to index
      %parallel_loop3A_42 = arith.index_cast %parallel_loop3A_30 : i32 to index
      %parallel_loop3A_43 = tpu.vector_load %arg6[%parallel_loop3A_41, %parallel_loop3A_42] {strides = array<i32>} : memref<2x5248xi32, #tpu.memory_space<vmem>>, vector<16xi32>,
      %parallel_loop3A_44 = arith.index_cast %parallel_loop3A_30 : i32 to index
      %parallel_loop3A_45 = tpu.vector_load %arg7[%parallel_loop3A_44] {strides = array<i32>} : memref<5248xi32, #tpu.memory_space<vmem>>, vector<16xi32>,
      %parallel_loop3A_46 = arith.constant 7 : i32
      %parallel_loop3A_47 = vector.broadcast %parallel_loop3A_46 : i32 to vector<16xi32>
      %parallel_loop3A_48 = arith.shrsi %parallel_loop3A_43, %parallel_loop3A_47 : vector<16xi32>
      %parallel_loop3A_49 = arith.constant 3 : i32
      %parallel_loop3A_50 = vector.broadcast %parallel_loop3A_49 : i32 to vector<16xi32>
      %parallel_loop3A_51 = arith.shli %parallel_loop3A_48, %parallel_loop3A_50 : vector<16xi32>
      %parallel_loop3A_52 = arith.addi %parallel_loop3A_51, %parallel_loop3A_45 : vector<16xi32>
      %parallel_loop3A_53 = arith.constant 127 : i32
      %parallel_loop3A_54 = vector.broadcast %parallel_loop3A_53 : i32 to vector<16xi32>
      %parallel_loop3A_55 = arith.andi %parallel_loop3A_43, %parallel_loop3A_54 : vector<16xi32>
      tpu.vector_store_idx %arg5[%parallel_loop3A_52, %parallel_loop3A_55], %broadcast_in_dim3A_16 masked %parallel_loop3A_35 {add = true} : memref<640x128xf32, #tpu.memory_space<vmem>>[vector<16xi32>, vector<16xi32>], vector<16xf32>, vector<16xi1>
      %parallel_loop3A_56 = arith.constant 7 : i32
      %parallel_loop3A_57 = vector.broadcast %parallel_loop3A_56 : i32 to vector<16xi32>
      %parallel_loop3A_58 = arith.shrsi %parallel_loop3A_39, %parallel_loop3A_57 : vector<16xi32>
      %parallel_loop3A_59 = arith.constant 3 : i32
      %parallel_loop3A_60 = vector.broadcast %parallel_loop3A_59 : i32 to vector<16xi32>
      %parallel_loop3A_61 = arith.shli %parallel_loop3A_58, %parallel_loop3A_60 : vector<16xi32>
      %parallel_loop3A_62 = arith.constant 4 : i32
      %parallel_loop3A_63 = vector.broadcast %parallel_loop3A_62 : i32 to vector<16xi32>
      %parallel_loop3A_64 = arith.addi %parallel_loop3A_63, %parallel_loop3A_45 : vector<16xi32>
      %parallel_loop3A_65 = arith.addi %parallel_loop3A_61, %parallel_loop3A_64 : vector<16xi32>
      %parallel_loop3A_66 = arith.constant 127 : i32
      %parallel_loop3A_67 = vector.broadcast %parallel_loop3A_66 : i32 to vector<16xi32>
      %parallel_loop3A_68 = arith.andi %parallel_loop3A_39, %parallel_loop3A_67 : vector<16xi32>
      %parallel_loop3A_69 = arith.constant 0 : i32
      %parallel_loop3A_70 = vector.broadcast %parallel_loop3A_69 : i32 to vector<16xi32>
      %parallel_loop3A_71 = arith.cmpi eq, %parallel_loop3A_43, %parallel_loop3A_70 : vector<16xi32>
      %parallel_loop3A_72 = arith.andi %parallel_loop3A_35, %parallel_loop3A_71 : vector<16xi1>
      tpu.vector_store_idx %arg5[%parallel_loop3A_65, %parallel_loop3A_68], %broadcast_in_dim3A_16 masked %parallel_loop3A_72 {add = true} : memref<640x128xf32, #tpu.memory_space<vmem>>[vector<16xi32>, vector<16xi32>], vector<16xf32>, vector<16xi1>
    } {sc.loop_unroll_factor = 4 : i64, sc.parallel_access}
    %barrier3A = arith.constant 0 : index
    tpu.barrier barrier_id(%barrier3A)
    "tpu.region"() ({
      %run_scoped3A = tpu.sem_alloc : memref<!tpu.dma_semaphore, #tpu.memory_space<semaphore_mem>>
      %dma_start3A = arith.constant 0 : i32
      %dma_start3A_28 = arith.constant 0 : i32
      %dma_start3A_29 = tpu.memref_slice %arg9[%dma_start3A, %dma_start3A_28] : memref<640x128xf32, #tpu.memory_space<vmem_shared>> -> memref<640x128xf32, #tpu.memory_space<vmem_shared>>
      tpu.enqueue_indirect_dma source(%arg5 : memref<640x128xf32, #tpu.memory_space<vmem>>) target(%dma_start3A_29 : memref<640x128xf32, #tpu.memory_space<vmem_shared>>) offsets(%arg8 : memref<640xi32, #tpu.memory_space<vmem>>) semaphore(%run_scoped3A : memref<!tpu.dma_semaphore, #tpu.memory_space<semaphore_mem>>) {add = true}
      %dma_wait3A = arith.constant 0 : i32
      %dma_wait3A_30 = arith.constant 0 : i32
      %dma_wait3A_31 = tpu.memref_slice %arg9[%dma_wait3A, %dma_wait3A_30] : memref<640x128xf32, #tpu.memory_space<vmem_shared>> -> memref<640x128xf32, #tpu.memory_space<vmem_shared>>
      tpu.wait_indirect_dma semaphore(%run_scoped3A : memref<!tpu.dma_semaphore, #tpu.memory_space<semaphore_mem>>) src(%arg5 : memref<640x128xf32, #tpu.memory_space<vmem>>) dst(%dma_wait3A_31 : memref<640x128xf32, #tpu.memory_space<vmem_shared>>)
      tpu.yield
    }) : () -> ()
    %barrier3A_20 = arith.constant 0 : index
    tpu.barrier barrier_id(%barrier3A_20)
    %mul3A_21 = arith.constant 40 : i32
    %mul3A_22 = arith.muli %arg1, %mul3A_21 : i32
    %mul3A_23 = arith.constant 640 : i32
    %mul3A_24 = arith.muli %arg0, %mul3A_23 : i32
    %mul3A_25 = arith.constant 40 : i32
    %mul3A_26 = arith.muli %arg1, %mul3A_25 : i32
    %add3A_27 = arith.addi %mul3A_24, %mul3A_26 : i32
    "tpu.region"() ({
      %run_scoped3A = tpu.sem_alloc : memref<!tpu.dma_semaphore, #tpu.memory_space<semaphore_mem>>
      %dma_start3A = arith.constant 0 : i32
      %dma_start3A_28 = tpu.memref_slice %arg4[%add3A_27, %dma_start3A] : memref<1280x128xf32, #tpu.memory_space<hbm>> -> memref<40x128xf32, #tpu.memory_space<hbm>>
      %dma_start3A_29 = arith.constant 0 : i32
      %dma_start3A_30 = tpu.memref_slice %arg9[%mul3A_22, %dma_start3A_29] : memref<640x128xf32, #tpu.memory_space<vmem_shared>> -> memref<40x128xf32, #tpu.memory_space<vmem_shared>>
      tpu.enqueue_dma source(%dma_start3A_30 : memref<40x128xf32, #tpu.memory_space<vmem_shared>>) target(%dma_start3A_28 : memref<40x128xf32, #tpu.memory_space<hbm>>) target_semaphore(%run_scoped3A : memref<!tpu.dma_semaphore, #tpu.memory_space<semaphore_mem>>)
      %dma_wait3A = arith.constant 0 : i32
      %dma_wait3A_31 = tpu.memref_slice %arg4[%add3A_27, %dma_wait3A] : memref<1280x128xf32, #tpu.memory_space<hbm>> -> memref<40x128xf32, #tpu.memory_space<hbm>>
      %dma_wait3A_32 = arith.constant 0 : i32
      %dma_wait3A_33 = tpu.memref_slice %arg9[%mul3A_22, %dma_wait3A_32] : memref<640x128xf32, #tpu.memory_space<vmem_shared>> -> memref<40x128xf32, #tpu.memory_space<vmem_shared>>
      tpu.wait_dma2 semaphore(%run_scoped3A : memref<!tpu.dma_semaphore, #tpu.memory_space<semaphore_mem>>) src(%dma_wait3A_33 : memref<40x128xf32, #tpu.memory_space<vmem_shared>>) dst(%dma_wait3A_31 : memref<40x128xf32, #tpu.memory_space<hbm>>)
      tpu.yield
    }) : () -> ()
    return
  }
}

module attributes {stable_mosaic.version = 14 : i64} {
  func.func @_tc_body(%arg0: memref<1280x128xf32, #tpu.memory_space<vmem>>, %arg1: memref<10000x128xf32, #tpu.memory_space<vmem>>, %arg2: memref<4x128x128xf32, #tpu.memory_space<vmem>>, %arg3: memref<128x128xf32, #tpu.memory_space<vmem>>, %arg4: memref<1x1xf32, #tpu.memory_space<vmem>>, %arg5: memref<1x128xf32, #tpu.memory_space<vmem>>, %arg6: memref<16384x128xf32, #tpu.memory_space<vmem>>, %arg7: memref<1x16384xf32, #tpu.memory_space<vmem>>, %arg8: memref<4096x128xf32, #tpu.memory_space<vmem>>, %arg9: memref<1x4096xf32, #tpu.memory_space<vmem>>, %arg10: memref<1x16384xf32, #tpu.memory_space<vmem>>, %arg11: memref<1x4096xf32, #tpu.memory_space<vmem>>) attributes {dimension_semantics = [], scalar_prefetch = 0 : i64, scratch_operands = 0 : i64, tpu.core_type = #tpu.core_type<tc>} {
    %get3A = arith.constant 0 : index
    %get3A_0 = arith.constant 0 : index
    %get3A_1 = vector.load %arg0[%get3A, %get3A_0] : memref<1280x128xf32, #tpu.memory_space<vmem>>, vector<1280x128xf32>
    %reshape3A = vector.shape_cast %get3A_1 : vector<1280x128xf32> to vector<2x640x128xf32>
    %reduce_sum3A = arith.constant dense<0.000000e+00> : vector<640x128xf32>
    %reduce_sum3A_2 = vector.multi_reduction <add>, %reshape3A, %reduce_sum3A [0] : vector<2x640x128xf32> to vector<640x128xf32>
    %reshape3A_3 = vector.shape_cast %reduce_sum3A_2 : vector<640x128xf32> to vector<80x8x128xf32>
    %slice3A = vector.extract_strided_slice %reshape3A_3 {offsets = [0, 0, 0], sizes = [80, 4, 128], strides = [1, 1, 1]} : vector<80x8x128xf32> to vector<80x4x128xf32>
    %add3A = arith.constant 1.000000e+00 : f32
    %add3A_4 = vector.broadcast %add3A : f32 to vector<80x4x128xf32>
    %add3A_5 = arith.addf %slice3A, %add3A_4 : vector<80x4x128xf32>
    %rsqrt3A = math.rsqrt %add3A_5 : vector<80x4x128xf32>
    %slice3A_6 = vector.extract_strided_slice %reshape3A_3 {offsets = [0, 4, 0], sizes = [80, 4, 128], strides = [1, 1, 1]} : vector<80x8x128xf32> to vector<80x4x128xf32>
    %mul3A = arith.mulf %slice3A_6, %rsqrt3A : vector<80x4x128xf32>
    %get3A_7 = arith.constant 0 : index
    %get3A_8 = arith.constant 0 : index
    %get3A_9 = vector.load %arg1[%get3A_7, %get3A_8] : memref<10000x128xf32, #tpu.memory_space<vmem>>, vector<10000x128xf32>
    %broadcast_in_dim3A = arith.constant 0.000000e+00 : f32
    %broadcast_in_dim3A_10 = vector.broadcast %broadcast_in_dim3A : f32 to vector<240x128xf32>
    %concatenate3A = tpu.concatenate %get3A_9, %broadcast_in_dim3A_10 in 0 : vector<10000x128xf32>, vector<240x128xf32> -> vector<10240x128xf32>
    %reshape3A_11 = vector.shape_cast %concatenate3A : vector<10240x128xf32> to vector<80x128x128xf32>
    %dot_general3A = arith.constant dense<0.000000e+00> : vector<80x4x128xf32>
    %dot_general3A_12 = tpu.matmul %mul3A, %reshape3A_11, %dot_general3A {dimension_numbers = #tpu.dot_dimension_numbers<[2], [1], [1], [2], [0, 0, 0, 1, 1, 2], [0], [0]>, transpose_lhs_hint = false} : vector<80x4x128xf32>, vector<80x128x128xf32>, vector<80x4x128xf32> -> vector<80x4x128xf32>
    %reduce_sum3A_13 = arith.constant dense<0.000000e+00> : vector<4x128xf32>
    %reduce_sum3A_14 = vector.multi_reduction <add>, %dot_general3A_12, %reduce_sum3A_13 [0] : vector<80x4x128xf32> to vector<4x128xf32>
    %slice3A_15 = vector.extract_strided_slice %rsqrt3A {offsets = [0, 0, 0], sizes = [1, 4, 1], strides = [1, 1, 1]} : vector<80x4x128xf32> to vector<1x4x1xf32>
    %squeeze3A = vector.shape_cast %slice3A_15 : vector<1x4x1xf32> to vector<4x1xf32>
    %slice3A_16 = vector.extract_strided_slice %get3A_9 {offsets = [0, 0], sizes = [1, 128], strides = [1, 1]} : vector<10000x128xf32> to vector<1x128xf32>
    %mul3A_17 = vector.broadcast %squeeze3A : vector<4x1xf32> to vector<4x128xf32>
    %mul3A_18 = arith.mulf %mul3A_17, %reduce_sum3A_14 : vector<4x128xf32>
    %mul3A_19 = arith.mulf %squeeze3A, %squeeze3A : vector<4x1xf32>
    %mul3A_20 = vector.broadcast %mul3A_19 : vector<4x1xf32> to vector<4x128xf32>
    %mul3A_21 = vector.broadcast %slice3A_16 : vector<1x128xf32> to vector<4x128xf32>
    %mul3A_22 = arith.mulf %mul3A_20, %mul3A_21 : vector<4x128xf32>
    %add3A_23 = arith.addf %mul3A_18, %mul3A_22 : vector<4x128xf32>
    %broadcast_in_dim3A_24 = arith.constant 0.000000e+00 : f32
    %broadcast_in_dim3A_25 = vector.broadcast %broadcast_in_dim3A_24 : f32 to vector<1x128xf32>
    %slice3A_26 = vector.extract_strided_slice %add3A_23 {offsets = [0, 0], sizes = [1, 128], strides = [1, 1]} : vector<4x128xf32> to vector<1x128xf32>
    %get3A_27 = arith.constant 0 : index
    %get3A_28 = arith.constant 0 : index
    %get3A_29 = arith.constant 0 : index
    %get3A_30 = vector.load %arg2[%get3A_27, %get3A_28, %get3A_29] : memref<4x128x128xf32, #tpu.memory_space<vmem>>, vector<1x128x128xf32>
    %get3A_31 = vector.shape_cast %get3A_30 : vector<1x128x128xf32> to vector<128x128xf32>
    %dot_general3A_32 = arith.constant dense<0.000000e+00> : vector<1x128xf32>
    %dot_general3A_33 = tpu.matmul %slice3A_26, %get3A_31, %dot_general3A_32 {dimension_numbers = #tpu.dot_dimension_numbers<[1], [1], [0], [0], [0, 0, 1, 0], [], []>, transpose_lhs_hint = false} : vector<1x128xf32>, vector<128x128xf32>, vector<1x128xf32> -> vector<1x128xf32>
    %add3A_34 = arith.addf %broadcast_in_dim3A_25, %dot_general3A_33 : vector<1x128xf32>
    %slice3A_35 = vector.extract_strided_slice %add3A_23 {offsets = [1, 0], sizes = [1, 128], strides = [1, 1]} : vector<4x128xf32> to vector<1x128xf32>
    %get3A_36 = arith.constant 1 : index
    %get3A_37 = arith.constant 0 : index
    %get3A_38 = arith.constant 0 : index
    %get3A_39 = vector.load %arg2[%get3A_36, %get3A_37, %get3A_38] : memref<4x128x128xf32, #tpu.memory_space<vmem>>, vector<1x128x128xf32>
    %get3A_40 = vector.shape_cast %get3A_39 : vector<1x128x128xf32> to vector<128x128xf32>
    %dot_general3A_41 = arith.constant dense<0.000000e+00> : vector<1x128xf32>
    %dot_general3A_42 = tpu.matmul %slice3A_35, %get3A_40, %dot_general3A_41 {dimension_numbers = #tpu.dot_dimension_numbers<[1], [1], [0], [0], [0, 0, 1, 0], [], []>, transpose_lhs_hint = false} : vector<1x128xf32>, vector<128x128xf32>, vector<1x128xf32> -> vector<1x128xf32>
    %add3A_43 = arith.addf %add3A_34, %dot_general3A_42 : vector<1x128xf32>
    %slice3A_44 = vector.extract_strided_slice %add3A_23 {offsets = [2, 0], sizes = [1, 128], strides = [1, 1]} : vector<4x128xf32> to vector<1x128xf32>
    %get3A_45 = arith.constant 2 : index
    %get3A_46 = arith.constant 0 : index
    %get3A_47 = arith.constant 0 : index
    %get3A_48 = vector.load %arg2[%get3A_45, %get3A_46, %get3A_47] : memref<4x128x128xf32, #tpu.memory_space<vmem>>, vector<1x128x128xf32>
    %get3A_49 = vector.shape_cast %get3A_48 : vector<1x128x128xf32> to vector<128x128xf32>
    %dot_general3A_50 = arith.constant dense<0.000000e+00> : vector<1x128xf32>
    %dot_general3A_51 = tpu.matmul %slice3A_44, %get3A_49, %dot_general3A_50 {dimension_numbers = #tpu.dot_dimension_numbers<[1], [1], [0], [0], [0, 0, 1, 0], [], []>, transpose_lhs_hint = false} : vector<1x128xf32>, vector<128x128xf32>, vector<1x128xf32> -> vector<1x128xf32>
    %add3A_52 = arith.addf %add3A_43, %dot_general3A_51 : vector<1x128xf32>
    %slice3A_53 = vector.extract_strided_slice %add3A_23 {offsets = [3, 0], sizes = [1, 128], strides = [1, 1]} : vector<4x128xf32> to vector<1x128xf32>
    %get3A_54 = arith.constant 3 : index
    %get3A_55 = arith.constant 0 : index
    %get3A_56 = arith.constant 0 : index
    %get3A_57 = vector.load %arg2[%get3A_54, %get3A_55, %get3A_56] : memref<4x128x128xf32, #tpu.memory_space<vmem>>, vector<1x128x128xf32>
    %get3A_58 = vector.shape_cast %get3A_57 : vector<1x128x128xf32> to vector<128x128xf32>
    %dot_general3A_59 = arith.constant dense<0.000000e+00> : vector<1x128xf32>
    %dot_general3A_60 = tpu.matmul %slice3A_53, %get3A_58, %dot_general3A_59 {dimension_numbers = #tpu.dot_dimension_numbers<[1], [1], [0], [0], [0, 0, 1, 0], [], []>, transpose_lhs_hint = false} : vector<1x128xf32>, vector<128x128xf32>, vector<1x128xf32> -> vector<1x128xf32>
    %add3A_61 = arith.addf %add3A_52, %dot_general3A_60 : vector<1x128xf32>
    %get3A_62 = arith.constant 0 : index
    %get3A_63 = arith.constant 0 : index
    %get3A_64 = vector.load %arg3[%get3A_62, %get3A_63] : memref<128x128xf32, #tpu.memory_space<vmem>>, vector<128x128xf32>
    %dot_general3A_65 = arith.constant dense<0.000000e+00> : vector<1x128xf32>
    %dot_general3A_66 = tpu.matmul %slice3A_16, %get3A_64, %dot_general3A_65 {dimension_numbers = #tpu.dot_dimension_numbers<[1], [0], [0], [1], [0, 0, 1, 1], [], []>, transpose_lhs_hint = false} : vector<1x128xf32>, vector<128x128xf32>, vector<1x128xf32> -> vector<1x128xf32>
    %get3A_67 = arith.constant 0 : index
    %get3A_68 = arith.constant 0 : index
    %get3A_69 = vector.load %arg4[%get3A_67, %get3A_68] : memref<1x1xf32, #tpu.memory_space<vmem>>, vector<1x1xf32>
    %add3A_70 = arith.addf %add3A_61, %dot_general3A_66 : vector<1x128xf32>
    %mul3A_71 = vector.broadcast %get3A_69 : vector<1x1xf32> to vector<1x128xf32>
    %mul3A_72 = arith.mulf %mul3A_71, %add3A_70 : vector<1x128xf32>
    %sub3A = arith.constant 1.000000e+00 : f32
    %sub3A_73 = vector.broadcast %sub3A : f32 to vector<1x1xf32>
    %sub3A_74 = arith.subf %sub3A_73, %get3A_69 : vector<1x1xf32>
    %get3A_75 = arith.constant 0 : index
    %get3A_76 = arith.constant 0 : index
    %get3A_77 = vector.load %arg5[%get3A_75, %get3A_76] : memref<1x128xf32, #tpu.memory_space<vmem>>, vector<1x128xf32>
    %mul3A_78 = vector.broadcast %sub3A_74 : vector<1x1xf32> to vector<1x128xf32>
    %mul3A_79 = arith.mulf %mul3A_78, %get3A_77 : vector<1x128xf32>
    %add3A_80 = arith.addf %mul3A_72, %mul3A_79 : vector<1x128xf32>
    %max3A = arith.constant 0.000000e+00 : f32
    %max3A_81 = vector.broadcast %max3A : f32 to vector<1x128xf32>
    %max3A_82 = arith.maximumf %add3A_80, %max3A_81 : vector<1x128xf32>
    %get3A_83 = arith.constant 0 : index
    %get3A_84 = arith.constant 0 : index
    %get3A_85 = vector.load %arg6[%get3A_83, %get3A_84] : memref<16384x128xf32, #tpu.memory_space<vmem>>, vector<16384x128xf32>
    %dot_general3A_86 = arith.constant dense<0.000000e+00> : vector<1x16384xf32>
    %dot_general3A_87 = tpu.matmul %max3A_82, %get3A_85, %dot_general3A_86 {dimension_numbers = #tpu.dot_dimension_numbers<[1], [1], [0], [0], [0, 0, 1, 0], [], []>, transpose_lhs_hint = false} : vector<1x128xf32>, vector<16384x128xf32>, vector<1x16384xf32> -> vector<1x16384xf32>
    %get3A_88 = arith.constant 0 : index
    %get3A_89 = arith.constant 0 : index
    %get3A_90 = vector.load %arg7[%get3A_88, %get3A_89] : memref<1x16384xf32, #tpu.memory_space<vmem>>, vector<1x16384xf32>
    %add3A_91 = arith.addf %dot_general3A_87, %get3A_90 : vector<1x16384xf32>
    %reduce_max3A = arith.constant dense<0xFF800000> : vector<1xf32>
    %reduce_max3A_92 = vector.multi_reduction <maximumf>, %add3A_91, %reduce_max3A [1] : vector<1x16384xf32> to vector<1xf32>
    %broadcast_in_dim3A_93 = vector.shape_cast %reduce_max3A_92 : vector<1xf32> to vector<1x1xf32>
    %sub3A_94 = vector.broadcast %broadcast_in_dim3A_93 : vector<1x1xf32> to vector<1x16384xf32>
    %sub3A_95 = arith.subf %add3A_91, %sub3A_94 : vector<1x16384xf32>
    %exp3A = math.exp %sub3A_95 : vector<1x16384xf32>
    %reduce_sum3A_96 = arith.constant dense<0.000000e+00> : vector<1xf32>
    %reduce_sum3A_97 = vector.multi_reduction <add>, %exp3A, %reduce_sum3A_96 [1] : vector<1x16384xf32> to vector<1xf32>
    %broadcast_in_dim3A_98 = vector.shape_cast %reduce_sum3A_97 : vector<1xf32> to vector<1x1xf32>
    %log3A = math.log %broadcast_in_dim3A_98 : vector<1x1xf32>
    %add3A_99 = arith.addf %log3A, %broadcast_in_dim3A_93 : vector<1x1xf32>
    %sub3A_100 = vector.broadcast %add3A_99 : vector<1x1xf32> to vector<1x16384xf32>
    %sub3A_101 = arith.subf %add3A_91, %sub3A_100 : vector<1x16384xf32>
    %swap3A = arith.constant 0 : index
    %swap3A_102 = arith.constant 0 : index
    %swap3A_103 = vector.load %arg10[%swap3A, %swap3A_102] : memref<1x16384xf32, #tpu.memory_space<vmem>>, vector<1x16384xf32>
    tpu.vector_store %arg10[%swap3A, %swap3A_102], %sub3A_101 {strides = array<i32>} : memref<1x16384xf32, #tpu.memory_space<vmem>>, vector<1x16384xf32>,
    %get3A_104 = arith.constant 0 : index
    %get3A_105 = arith.constant 0 : index
    %get3A_106 = vector.load %arg8[%get3A_104, %get3A_105] : memref<4096x128xf32, #tpu.memory_space<vmem>>, vector<4096x128xf32>
    %dot_general3A_107 = arith.constant dense<0.000000e+00> : vector<1x4096xf32>
    %dot_general3A_108 = tpu.matmul %max3A_82, %get3A_106, %dot_general3A_107 {dimension_numbers = #tpu.dot_dimension_numbers<[1], [1], [0], [0], [0, 0, 1, 0], [], []>, transpose_lhs_hint = false} : vector<1x128xf32>, vector<4096x128xf32>, vector<1x4096xf32> -> vector<1x4096xf32>
    %get3A_109 = arith.constant 0 : index
    %get3A_110 = arith.constant 0 : index
    %get3A_111 = vector.load %arg9[%get3A_109, %get3A_110] : memref<1x4096xf32, #tpu.memory_space<vmem>>, vector<1x4096xf32>
    %add3A_112 = arith.addf %dot_general3A_108, %get3A_111 : vector<1x4096xf32>
    %reduce_max3A_113 = arith.constant dense<0xFF800000> : vector<1xf32>
    %reduce_max3A_114 = vector.multi_reduction <maximumf>, %add3A_112, %reduce_max3A_113 [1] : vector<1x4096xf32> to vector<1xf32>
    %broadcast_in_dim3A_115 = vector.shape_cast %reduce_max3A_114 : vector<1xf32> to vector<1x1xf32>
    %sub3A_116 = vector.broadcast %broadcast_in_dim3A_115 : vector<1x1xf32> to vector<1x4096xf32>
    %sub3A_117 = arith.subf %add3A_112, %sub3A_116 : vector<1x4096xf32>
    %exp3A_118 = math.exp %sub3A_117 : vector<1x4096xf32>
    %reduce_sum3A_119 = arith.constant dense<0.000000e+00> : vector<1xf32>
    %reduce_sum3A_120 = vector.multi_reduction <add>, %exp3A_118, %reduce_sum3A_119 [1] : vector<1x4096xf32> to vector<1xf32>
    %broadcast_in_dim3A_121 = vector.shape_cast %reduce_sum3A_120 : vector<1xf32> to vector<1x1xf32>
    %log3A_122 = math.log %broadcast_in_dim3A_121 : vector<1x1xf32>
    %add3A_123 = arith.addf %log3A_122, %broadcast_in_dim3A_115 : vector<1x1xf32>
    %sub3A_124 = vector.broadcast %add3A_123 : vector<1x1xf32> to vector<1x4096xf32>
    %sub3A_125 = arith.subf %add3A_112, %sub3A_124 : vector<1x4096xf32>
    %swap3A_126 = arith.constant 0 : index
    %swap3A_127 = arith.constant 0 : index
    %swap3A_128 = vector.load %arg11[%swap3A_126, %swap3A_127] : memref<1x4096xf32, #tpu.memory_space<vmem>>, vector<1x4096xf32>
    tpu.vector_store %arg11[%swap3A_126, %swap3A_127], %sub3A_125 {strides = array<i32>} : memref<1x4096xf32, #tpu.memory_space<vmem>>, vector<1x4096xf32>,
    return
  }
}

</mosaic_0001>

<sc_bundles>
// kernel: kernel.4.cloned.1.call-start
scs
__scs_entry_jumppad:
0x0: {  	(pc) =	sbr.rel $0x88, $3  }
0x1: {  	(tag) =	ssettag $0x0;
	lr =	simm.s32 $0x1  }
0x2: {  	[smem:$0x3F96] =	sst lr;
	_ =	strace $0xD0000000  }
0x3: {  	_ = 	snop  }
0x4: {  	_ = 	snop  }
0x5: {  	_ = 	snop  }
0x6: {  	_ = 	snop  }
0x7: {  	_ = 	snop  }
__scs_overlays_trampoline_lowered:
0x8: {  	[smem:$0x3FA5] =	sst s0  }
0x9: {  	[smem:$0x3FA6] =	sst s1  }
0xa: {  	[smem:$0x3FA7] =	sst s2  }
0xb: {  	[smem:$0x3FA8] =	sst s3  }
0xc: {  	[smem:$0x3FA9] =	sst s4  }
0xd: {  	[smem:$0x3FAA] =	sst s5  }
0xe: {  	[smem:$0x3FAB] =	sst s6  }
0xf: {  	[smem:$0x3FAC] =	sst s7  }
0x10: {  	[smem:$0x3FAD] =	sst s8  }
0x11: {  	[smem:$0x3FAE] =	sst s9;
	s0 =	simm.s32 @!p0 $0x0  }
0x12: {  	s1 =	sld [smem:$0x3F94];
	s0 =	simm.s32 @p0 $0x1  }
0x13: {  	[smem:$0x3FAF] =	sst s0;
	s0 =	simm.s32 @!p1 $0x0  }
0x14: {  	s2 =	sld [smem:$0x3F93];
	s0 =	simm.s32 @p1 $0x1  }
0x15: {  	[smem:$0x3FB0] =	sst s0;
	s0 =	simm.s32 @!p2 $0x0  }
0x16: {  	s3 =	sld [smem:$0x3FDB];
	s0 =	simm.s32 @p2 $0x1  }
0x17: {  	s4 =	simm.s32 $0x1BF5;
	[smem:$0x3FB2] =	sst s0  }
0x18: {  	s0 =	sld [smem:$0x3F95];
	_ =	swait.ge [sflag:s4], $0x0  }
0x19: {  	s7 =	sld [smem:$0x3F96]  }
0x1a: {  	s8 =	sadd.s32 $0xFFFFE003, lr  }
0x1b: {  	s9 =	sadd.s32 $0xFFFFFEF7, lr;
	s5 =	simm.s32 $0xFFFFFFFF;
	p2 =	slt.u32 s8, $0xFFFFF086  }
0x1c: {  	p1 =	slt.u32 s9, $0xF7A;
	s5 =	simm.s32 @!p2 $0x0  }
0x1d: {  	s5 =	simm.s32 @p1 $0x1;
	p0 =	seq.s32 s7, s2  }
0x1e: {  	s7 =	smul.u32 @!p0 $0xF7A, s2;
	p2 =	seq.s32 @!p0 s5, $0x0  }
0x1f: {  	s9 =	smul.u32 $0xF7A, s1;
	s8 =	simm.s32 @!p0 $0x1BF5;
	p2 =	por !p2, p0  }
0x20: {  	[sflag:s8] =	ssyncset.s32 @!p0 $0xFFFFF086;
	s6 =	sadd.s32 @!p0 s3, s7;
	s7 =	simm.s32 @!p0 $0x108  }
0x21: {  	s3 =	sadd.s32 s3, s9;
	s6 =	sadd.s32 @!p0 $0x88, s6;
	s7 =	simm.s32 @p2 $0x1082  }
0x22: {  	[simem:s7], [sflag:s8] =	dma.local @!p0 [hbm:s6], $0xF7A  }
0x23: {  	s9 =	sor.u32 $0xD0000000, s2;
	s6 =	simm.s32 $0x108;
	_ =	swait.ge @!p0 [sflag:s8], $0x0  }
0x24: {  	s3 =	sadd.s32 $0x88, s3;
	s6 =	simm.s32 @!p1 $0x1082;
	[sflag:s4] =	ssyncset.s32 $0xFFFFF086  }
0x25: {  	[simem:s6], [sflag:s4] =	dma.local [hbm:s3], $0xF7A  }
0x26: {  	[smem:$0x3F96] =	sst s1;
	(tag) =	ssettag s2;
	_ =	strace s9  }
0x27: {  	s1 =	sld [smem:$0x3FA6]  }
0x28: {  	s2 =	sld [smem:$0x3FA7]  }
0x29: {  	s4 =	sld [smem:$0x3FA9]  }
0x2a: {  	p0 =	seq.s32 s5, $0x0;
	s5 =	sld [smem:$0x3FAA]  }
0x2b: {  	s6 =	sld [smem:$0x3FAB]  }
0x2c: {  	s7 =	sld [smem:$0x3FAC]  }
0x2d: {  	s3 =	simm.s32 $0x108;
	s8 =	sld [smem:$0x3FAD]  }
0x2e: {  	s3 =	simm.s32 @!p0 $0x1082;
	s9 =	sld [smem:$0x3FAE]  }
0x2f: {  	lr =	sadd.s32 s0, s3;
	s0 =	sld [smem:$0x3FA5]  }
0x30: {  	s3 =	sld [smem:$0x3FA8]  }
0x31: {  	[smem:$0x3FB1] =	sst s10  }
0x32: {  	s10 =	sld [smem:$0x3FAF];
	_ =	sdelay $0x3  }
0x33: {  	p0 =	seq.s32 s10, $0x1;
	s10 =	sld [smem:$0x3FB1];
	_ =	sdelay $0x3  }
0x34: {  	[smem:$0x3FB1] =	sst s10  }
0x35: {  	s10 =	sld [smem:$0x3FB0];
	_ =	sdelay $0x3  }
0x36: {  	p1 =	seq.s32 s10, $0x1;
	s10 =	sld [smem:$0x3FB1];
	_ =	sdelay $0x3  }
0x37: {  	[smem:$0x3FB1] =	sst s10  }
0x38: {  	s10 =	sld [smem:$0x3FB2]  }
0x39: {  	_ = 	snop;
	(pc) =	sbr.ind lr, $3  }
0x3a: {  	_ = 	snop  }
0x3b: {  	_ = 	snop  }
0x3c: {  	p2 =	seq.s32 s10, $0x1;
	s10 =	sld [smem:$0x3FB1]  }
0x3d: {  	_ =	shalt  }
0x3e: {  	_ =	shalt  }
0x3f: {  	_ =	shalt  }
0x40: {  	_ =	shalt  }
0x41: {  	_ =	shalt  }
0x42: {  	_ =	shalt  }
0x43: {  	_ =	shalt  }
0x44: {  	_ =	shalt  }
0x45: {  	_ =	shalt  }
0x46: {  	_ =	shalt  }
0x47: {  	_ =	shalt  }
0x48: {  	_ =	shalt  }
0x49: {  	_ =	shalt  }
0x4a: {  	_ =	shalt  }
0x4b: {  	_ =	shalt  }
0x4c: {  	_ =	shalt  }
0x4d: {  	_ =	shalt  }
0x4e: {  	_ =	shalt  }
0x4f: {  	_ =	shalt  }
0x50: {  	_ =	shalt  }
0x51: {  	_ =	shalt  }
0x52: {  	_ =	shalt  }
0x53: {  	_ =	shalt  }
0x54: {  	_ =	shalt  }
0x55: {  	_ =	shalt  }
0x56: {  	_ =	shalt  }
0x57: {  	_ =	shalt  }
0x58: {  	_ =	shalt  }
0x59: {  	_ =	shalt  }
0x5a: {  	_ =	shalt  }
0x5b: {  	_ =	shalt  }
0x5c: {  	_ =	shalt  }
0x5d: {  	_ =	shalt  }
0x5e: {  	_ =	shalt  }
0x5f: {  	_ =	shalt  }
0x60: {  	_ =	shalt  }
0x61: {  	_ =	shalt  }
0x62: {  	_ =	shalt  }
0x63: {  	_ =	shalt  }
0x64: {  	_ =	shalt  }
0x65: {  	_ =	shalt  }
0x66: {  	_ =	shalt  }
0x67: {  	_ =	shalt  }
0x68: {  	_ =	shalt  }
0x69: {  	_ =	shalt  }
0x6a: {  	_ =	shalt  }
0x6b: {  	_ =	shalt  }
0x6c: {  	_ =	shalt  }
0x6d: {  	_ =	shalt  }
0x6e: {  	_ =	shalt  }
0x6f: {  	_ =	shalt  }
0x70: {  	_ =	shalt  }
0x71: {  	_ =	shalt  }
0x72: {  	_ =	shalt  }
0x73: {  	_ =	shalt  }
0x74: {  	_ =	shalt  }
0x75: {  	_ =	shalt  }
0x76: {  	_ =	shalt  }
0x77: {  	_ =	shalt  }
0x78: {  	_ =	shalt  }
0x79: {  	_ =	shalt  }
0x7a: {  	_ =	shalt  }
0x7b: {  	_ =	shalt  }
0x7c: {  	_ =	shalt  }
0x7d: {  	_ =	shalt  }
0x7e: {  	_ =	shalt  }
0x7f: {  	_ =	shalt  }
0x80: {  	_ =	shalt  }
0x81: {  	_ =	shalt  }
0x82: {  	_ =	shalt  }
0x83: {  	_ =	shalt  }
0x84: {  	_ =	shalt  }
0x85: {  	_ =	shalt  }
0x86: {  	_ =	shalt  }
0x87: {  	_ =	shalt  }
.Lfunc_end0:
.L_simem_size_0:
called_computation_lowered:
.L_overlay_start_0:
0x88: {  	s2 =	sld [smem:$0x3FD9]  }
0x89: {  	s3 =	sld [smem:$0x3FFE];
	_ =	sdelay $0x1  }
0x8a: {  	s1 =	srdreg.scid  }
0x8b: {  	s0 =	sand.u32 $0x1, s1  }
0x8c: {  	s17 =	sshll.u32 s0, $0xA;
	s2 =	sadd.s32 s3, s2  }
0x8d: {  	s2 =	sadd.s32 s2, s17  }
0x8e: {  	[smem:$0x3FBD] =	sst s2  }
0x8f: {  	_ = 	snop  }
0x90: {  	s2 =	sld [smem:$0x3FC8]  }
0x91: {  	s18 =	sld [smem:$0x3FC7];
	(tm) =	ssettm $0x1  }
0x92: {  	s4 =	sld [smem:$0x3FFB];
	_ =	sdelay $0x3  }
0x93: {  	_ =	strace s4  }
0x94: {  	s4 =	sld [smem:$0x3FFC];
	_ =	sdelay $0x3  }
0x95: {  	_ =	strace s4  }
0x96: {  	s4 =	sld [smem:$0x3FFD];
	_ =	sdelay $0x3  }
0x97: {  	_ =	strace s4  }
0x98: {  	_ =	strace $0x8FFFFFFF  }
0x99: {  	s19 =	sld [smem:$0x3FDB];
	_ =	sdelay $0x1  }
0x9a: {  	s5 =	simm.s32 $_scs_section_size  }
0x9b: {  	s6 =	simm.s32 $_size__tile_overlayer_lowered;
	s7 =	simm.s32 $_tile_overlayer_lowered  }
0x9c: {  	s22 =	simm.s32 $0x1BFF;
	s21 =	sshll.u32 s7, $0x1;
	s4 =	sadd.s32 s5, s19  }
0x9d: {  	s8 =	simm.s32 $0x0;
	s20 =	sshll.u32 s6, $0x1;
	s6 =	sadd.s32 s21, s4  }
0x9e: {  	[timem:s8], [sflag:s22] =	dma.local [hbm:s6], s20  }
0x9f: {  	_ =	swait.ge [sflag:s22], s20  }
0xa0: {  	s5 =	ssub.s32 $0x0, s20;
	[sflag:s22] =	ssyncset.done $0x0  }
0xa1: {  	[sflag:s22] =	ssyncadd.s32 s5;
	_ =	sdelay $0x1  }
0xa2: {  	s23 =	simm.s32 $0x1B8B  }
0xa3: {  	_ =	swait.ge [sflag:s23], $0x1  }
0xa4: {  	[sflag:s23] =	ssyncset.done $0x0  }
0xa5: {  	s25 =	simm.s32 $0x1B8E;
	s24 =	sld [smem:$0x3FFE];
	[sflag:s23] =	ssyncadd.s32 $0xFFFFFFFF  }
0xa6: {  	s26 =	simm.s32 $execute0_lowered;
	[smem:$0x3FD2] =	sst s25  }
0xa7: {  	s6 =	sshll.u32 s26, $0x1;
	_ =	strace $0x80000046;
	[dreg:$0x1] =	wrdreg $0xFFFFFFFF  }
0xa8: {  	s28 =	simm.s32 $_size_execute0_lowered;
	s4 =	sadd.s32 s4, s6;
	[dreg:$0x0] =	wrdreg $0x0  }
0xa9: {  	s6 =	sshll.u32 s28, $0x1;
	[dreg:$0x2] =	wrdreg s4  }
0xaa: {  	[dreg:$0x3] =	wrdreg s6  }
0xab: {  	[dreg:$0x4] =	wrdreg $0xC0  }
0xac: {  	_ =	task [dreg:s8], $0x5FFFF  }
0xad: {  	[dreg:$0x1] =	wrdreg $0xFFFFFFFF  }
0xae: {  	[dreg:$0x0] =	wrdreg $0x60  }
0xaf: {  	[dreg:$0x2] =	wrdreg s2  }
0xb0: {  	[dreg:$0x3] =	wrdreg s18  }
0xb1: {  	[dreg:$0x4] =	wrdreg s24  }
0xb2: {  	[dreg:$0x5] =	wrdreg $0x180000  }
0xb3: {  	[dreg:$0x6] =	wrdreg $0x9  }
0xb4: {  	_ =	task.clear_ibuf [dreg:s8], $0x7FFFF;
	_ =	strace $0x90000046  }
0xb5: {  	s29 =	simm.s32 $0x9;
	_ =	strace $0x80000048  }
0xb6: {  	_ =	swait.ge [sflag:s29], $0x1  }
0xb7: {  	[sflag:s29] =	ssyncadd.s32 $0xFFFFFFFF  }
0xb8: {  	_ =	strace $0x90000048  }
0xb9: {  	_ =	sfence  }
0xba: {  	s30 =	sld [smem:$0x0];
	_ =	sdelay $0x2  }
0xbb: {  	s31 =	sshll.u32 s1, $0xD;
	s1 =	sshrl.u32 s1, $0x2  }
0xbc: {  	s3 =	sand.u32 $0x4000, s31;
	s1 =	sadd.s32 s1, s30  }
0xbd: {  	s0 =	sor.u32 s3, s0;
	s1 =	sshll.u32 s1, $0x11  }
0xbe: {  	s0 =	sor.u32 s1, s0  }
0xbf: {  	s0 =	sadd.s32 $0x8F2B, s0  }
0xc0: {  	[sflag:s0] =	ssyncadd.remote.s32 $0x1  }
0xc1: {  	_ =	sfence.sel $0xFFFF  }
0xc2: {  	[dreg:$0x0] =	wrdreg $0xFFFFFFFF;
	(pc) =	sbr.abs _section_cstart, $3  }
0xc3: {  	[dreg:$0x1] =	wrdreg $0xFFFFFFFF  }
0xc4: {  	_ =	task.clear_ibuf [dreg:s8], $0x2FFFF;
	_ =	strace $0x9FFFFFFF  }
0xc5: {  	(tm) =	ssettm $0x7FFFFFFF  }
tec
execute0_lowered:
.L_overlay_start_1:
0x0: {  	(tag) =	ssettag $0x1  }
0x1: {  	s7 =	rddreg [dreg:$0x0]  }
0x2: {  	s8 =	rddreg [dreg:$0x1]  }
0x3: {  	s5 =	rddreg [dreg:$0x2]  }
0x4: {  	s2 =	rddreg [dreg:$0x3]  }
0x5: {  	s0 =	rddreg [dreg:$0x4]  }
0x6: {  	s4 =	srdreg.scid;
	s1 =	stileid.u32  }
0x7: {  	s3 =	simm.s32 $0x0;
	s13 =	simm.s32 $0x16900;
	s14 =	simm.s32 $0x280  }
0x8: {  	s15 =	simm.s32 $0x17D80;
	s16 =	simm.s32 $0x0;
	s4 =	sand.u32 $0x1, s4  }
0x9: {  	s6 =	smul.u32 $0x280, s1;
	[smem:$0x7FF] =	sst s3;
	s10 =	sshll.u32 s1, $0x1  }
0xa: {  	s9 =	smul.u32 $0x2800, s4;
	_ =	strace $0x80000047;
	s30 =	ssub.s32 $0x2, s4  }
0xb: {  	s10 =	sor.u32 s4, s10;
	s4 =	smul.u32 $0x1400, s1;
	s11 =	sshrl.u32 s30, $0x1  }
0xc: {  	s31 =	smul.u32 $0x4E0, s10;
	p0 =	seq.s32 s10, $0x1F;
	s6 =	sadd.s32 s6, s9  }
0xd: {  	s10 =	smul.u32 $0x270, s10;
	s11 =	ssub.s32 s30, s11;
	s12 =	sadd.s32 s6, s5  }
0xe: {  	s5 =	simm.s32 $0x1480;
	s6 =	sadd.s32 s4, s2;
	s7 =	sadd.s32 s7, s31  }
0xf: {  	s8 =	sadd.s32 s8, s10;
	s10 =	smax.u32 s11, $0x1;
	s11 =	simm.s32 $0x1  }
0x10: {  	v0 =	vimm.f32 $0.0e+00;
	v1 =	vlaneseq.u32;
	v2 =	vimm.f32 $1.000000000e+00;
	s5 =	simm.s32 @!p0 $0x1380;
	s9 =	sadd.s32 $0x1600, s12;
	s12 =	simm.s32 $0x14000  }
.LBB2_1:
0x11: {  	s17 =	simm.s32 $0x80  }
0x12: {  	[tilespmem:s17+$0xFFFFFF80] =	vst v0  }
0x13: {  	[tilespmem:s17+$0x70] =	vst v0  }
0x14: {  	[tilespmem:s17+$0x60] =	vst v0  }
0x15: {  	[tilespmem:s17+$0x50] =	vst v0  }
0x16: {  	[tilespmem:s17+$0x40] =	vst v0  }
0x17: {  	[tilespmem:s17+$0x30] =	vst v0  }
0x18: {  	[tilespmem:s17+$0x20] =	vst v0  }
0x19: {  	[tilespmem:s17+$0x10] =	vst v0  }
0x1a: {  	[tilespmem:s17+$0x0] =	vst v0  }
0x1b: {  	[tilespmem:s17+$0xFFFFFFF0] =	vst v0  }
0x1c: {  	[tilespmem:s17+$0xFFFFFFE0] =	vst v0  }
0x1d: {  	[tilespmem:s17+$0xFFFFFFD0] =	vst v0  }
0x1e: {  	[tilespmem:s17+$0xFFFFFFC0] =	vst v0  }
0x1f: {  	[tilespmem:s17+$0xFFFFFFB0] =	vst v0  }
0x20: {  	s18 =	simm.s32 $0x0;
	[tilespmem:s17+$0xFFFFFFA0] =	vst v0  }
.LBB2_2:
0x21: {  	s18 =	sadd.s32 $0x2, s18;
	[tilespmem:s17+$0xFFFFFF90] =	vst v0;
	s17 =	sadd.s32 $0x100, s17  }
0x22: {  	[tilespmem:s17+$0xFFFFFF80] =	vst v0;
	p0 =	slt.u32 s18, $0x27E  }
0x23: {  	[tilespmem:s17+$0x70] =	vst v0  }
0x24: {  	[tilespmem:s17+$0x60] =	vst v0  }
0x25: {  	[tilespmem:s17+$0x50] =	vst v0  }
0x26: {  	[tilespmem:s17+$0x40] =	vst v0  }
0x27: {  	[tilespmem:s17+$0x30] =	vst v0  }
0x28: {  	[tilespmem:s17+$0x20] =	vst v0  }
0x29: {  	[tilespmem:s17+$0x10] =	vst v0  }
0x2a: {  	[tilespmem:s17+$0x0] =	vst v0  }
0x2b: {  	[tilespmem:s17+$0xFFFFFFF0] =	vst v0  }
.Ltmp0:
0x2c: {  	[tilespmem:s17+$0xFFFFFFE0] =	vst v0;
	(pc) =	sbr.rel @p0 .LBB2_2-.Ltmp0, $4  }
0x2d: {  	[tilespmem:s17+$0xFFFFFFD0] =	vst v0  }
0x2e: {  	[tilespmem:s17+$0xFFFFFFC0] =	vst v0  }
0x2f: {  	[tilespmem:s17+$0xFFFFFFB0] =	vst v0  }
0x30: {  	[tilespmem:s17+$0xFFFFFFA0] =	vst v0  }
0x31: {  	[tilespmem:s17+$0xFFFFFF90] =	vst v0  }
0x32: {  	[spmem:s6] =	stream.linear.scatter [tilespmem:s4], [sflag:$0x1], $0x1400, $0x38;
	[tilespmem:$0x19400] =	vst v63  }
0x33: {  	s17 =	simm.s32 $0x10;
	_ =	swait.ge [sflag:s11], $0x1400  }
0x34: {  	s20 =	simm.s32 $0x0;
	s18 =	simm.s32 $0x17D90;
	[sflag:s11] =	ssyncset.done $0x0  }
0x35: {  	s19 =	simm.s32 $0x0;
	v4 =	vor.u32 s20, v1;
	v3 =	vor.u32 s17, v1;
	s20 =	simm.s32 $0x17D90;
	[sflag:s11] =	ssyncadd.s32 $0xFFFFEC00  }
.LBB2_4:
0x36: {  	s19 =	sadd.s32 $0x2, s19  }
0x37: {  	[tilespmem:s18+$0xFFFFFFF0] =	vst v4;
	s20 =	sadd.s32 $0x20, s20;
	s17 =	sadd.s32 $0x20, s17;
	p0 =	slt.u32 s19, $0x26  }
.Ltmp1:
0x38: {  	[tilespmem:s18+$0x0] =	vst v3;
	s18 =	smov.u32 s20;
	(pc) =	sbr.rel @p0 .LBB2_4-.Ltmp1, $3  }
0x39: {  	_ =	sdelay $0x1  }
0x3a: {  	s21 =	sadd.s32 $0xFFFFFFF0, s17  }
0x3b: {  	v3 =	vor.u32 s17, v1;
	v4 =	vor.u32 s21, v1  }
0x3c: {  	[tilespmem:s18+$0xFFFFFFF0] =	vst v4  }
0x3d: {  	[tilespmem:s18+$0x0] =	vst v3;
	s17 =	simm.s32 $0x0  }
0x3e: {  	[tilespmem:s12], [sflag:$0x1] =	stream.linear.gather [hbm4b:s7+s17], $0x2900, $0x38;
	[tilespmem:$0x19400] =	vst v63  }
0x3f: {  	_ =	swait.ge [sflag:s11], $0x2900  }
0x40: {  	[sflag:s11] =	ssyncset.done $0x0  }
0x41: {  	[sflag:s11] =	ssyncadd.s32 $0xFFFFD700  }
0x42: {  	[tilespmem:s13], [sflag:$0x1] =	stream.linear.gather [hbm4b:s8+s17], $0x1480, $0x38;
	[tilespmem:$0x19400] =	vst v63  }
0x43: {  	s29 =	simm.s32 $0x0;
	s17 =	sand.u32 $0x3F00, s17;
	_ =	swait.ge [sflag:s11], $0x1480  }
0x44: {  	s18 =	sand.u32 $0x40, s29;
	s17 =	sor.u32 $0x14000, s17;
	[sflag:s11] =	ssyncset.done $0x0  }
0x45: {  	s19 =	simm.s32 $0x30;
	s18 =	sor.u32 s18, s17;
	[sflag:s11] =	ssyncadd.s32 $0xFFFFEB80  }
0x46: {  	s20 =	simm.s32 $0x20;
	s21 =	sadd.s32 $0xFFFFFFD0, s5;
	s19 =	sand.u32 $0x70, s19;
	v3 =	vld [tilespmem:s18+$0x80]  }
0x47: {  	s22 =	sadd.s32 $0xFFFFFFF0, s5;
	s20 =	sand.u32 $0x60, s20;
	s19 =	sor.u32 s19, s17;
	v4 =	vld [tilespmem:s18+$0x0]  }
0x48: {  	s23 =	sadd.s32 $0xFFFFFFE0, s5;
	p0 =	slt.s32 s21, $0x10;
	s20 =	sor.u32 s20, s17;
	v5 =	vld [tilespmem:s19+$0x0]  }
0x49: {  	p1 =	slt.s32 s23, $0x10;
	s21 =	simm.s32 @!p0 $0x10;
	p0 =	slt.s32 s22, $0x10;
	v7 =	vld [tilespmem:s20+$0x0]  }
0x4a: {  	s23 =	simm.s32 @!p1 $0x10;
	s22 =	simm.s32 @!p0 $0x10;
	v9 =	vld [tilespmem:s20+$0x80]  }
0x4b: {  	v8 =	vmov s21;
	v13 =	vmov s23;
	v11 =	vmov s22;
	v17 =	vld [tilespmem:s19+$0x80]  }
0x4c: {  	s30 =	simm.s32 $0x16920;
	s31 =	simm.s32 $0x10;
	vm1 =	vgt.s32 v13, v1;
	vm8 =	vgt.s32 v8, v1;
	vm6 =	vgt.s32 v11, v1  }
0x4d: {  	v6 =	vld [tilespmem:s30+$0xFFFFFFE0];
	s20 =	sand.u32 $0x50, s31;
	vm0 =	veq.s32 v3, $0x0;
	v10 =	vshrl.u32 v4, $0x4;
	v12 =	vand.u32 $0x7F, v5  }
0x4e: {  	s21 =	simm.s32 $0x80;
	s17 =	sor.u32 s20, s17;
	v14 =	vshrl.u32 v3, $0x4;
	v3 =	vand.u32 $0x7F, v3;
	v16 =	vshrl.u32 v7, $0x4  }
0x4f: {  	s22 =	simm.s32 $0x40;
	s23 =	sand.u32 $0x3F00, s21;
	v21 =	vld [tilespmem:s17+$0x80];
	v19 =	vand.u32 $0x7F, v9;
	v5 =	vshrl.u32 v5, $0x4;
	v4 =	vand.u32 $0x7F, v4  }
0x50: {  	s24 =	sand.u32 $0x40, s22;
	s25 =	sor.u32 $0x14000, s23;
	v15 =	vld [tilespmem:s30+$0x10];
	v20 =	vshrl.u32 v9, $0x4;
	v7 =	vand.u32 $0x7F, v7;
	vm7 =	veq.s32 v17, $0x0  }
0x51: {  	v13 =	vld [tilespmem:s30+$0x0];
	s20 =	sor.u32 s24, s25;
	vm3 =	veq.s32 v9, $0x0;
	v10 =	vand.u32 $0x1FFFFF8, v10;
	v14 =	vand.u32 $0x1FFFFF8, v14  }
0x52: {  	v9 =	vld [tilespmem:s20+$0x80];
	v5 =	vand.u32 $0x1FFFFF8, v5;
	v20 =	vand.u32 $0x1FFFFF8, v20;
	v10 =	vadd.s32 v10, v6  }
0x53: {  	v18 =	vld [tilespmem:s17+$0x0];
	vm4 =	vmand vm1, vm3;
	vm7 =	vmand vm8, vm7;
	v10 =	vshll.u32 v10, $0x7  }
0x54: {  	v6 =	vadd.s32 v6, v14;
	vm2 =	veq.s32 v21, $0x0;
	v10 =	vadd.s32 $0x200, v10  }
0x55: {  	vm2 =	vmand vm6, vm2;
	v14 =	vor.u32 v4, v10;
	v4 =	vadd.s32 v5, v15  }
0x56: {  	v5 =	vshll.u32 v6, $0x7;
	v6 =	vand.u32 $0x1FFFFF8, v16;
	v16 =	vshrl.u32 v17, $0x4  }
0x57: {  	v25 =	vand.u32 $0x7F, v9;
	v22 =	vor.u32 v3, v5;
	v3 =	vadd.s32 v6, v13  }
0x58: {  	s26 =	simm.s32 $0x70;
	v4 =	vshll.u32 v4, $0x7;
	v5 =	vshrl.u32 v18, $0x4;
	v6 =	vand.u32 $0x1FFFFF8, v16  }
0x59: {  	s29 =	simm.s32 $0x60;
	p0 =	slt.s32 s5, $0x10;
	s17 =	sadd.s32 $0xFFFFFFC0, s5;
	v10 =	vld [tilespmem:s30+$0xFFFFFFF0];
	v13 =	vadd.s32 v13, v20;
	v18 =	vand.u32 $0x7F, v18;
	v3 =	vshll.u32 v3, $0x7  }
0x5a: {  	s22 =	smov.u32 s5;
	s21 =	sadd.s32 $0xFFFFFFD0, s17;
	s30 =	sand.u32 $0x60, s29;
	v5 =	vand.u32 $0x1FFFFF8, v5;
	v6 =	vadd.s32 v15, v6;
	v4 =	vadd.s32 $0x200, v4  }
0x5b: {  	s19 =	sand.u32 $0x70, s26;
	p1 =	slt.s32 s21, $0x10;
	v20 =	vld [tilespmem:s20+$0x0];
	s20 =	sor.u32 s30, s25;
	v13 =	vshll.u32 v13, $0x7;
	v15 =	vand.u32 $0x7F, v21;
	v16 =	vadd.s32 $0x200, v3  }
0x5c: {  	s19 =	sor.u32 s19, s25;
	s23 =	sadd.s32 $0xFFFFFFF0, s17;
	s21 =	simm.s32 @!p1 $0x10;
	v24 =	vld [tilespmem:s20+$0x0];
	v3 =	vshrl.u32 v21, $0x4;
	v13 =	vor.u32 v19, v13;
	v12 =	vor.u32 v12, v4  }
0x5d: {  	s22 =	simm.s32 @!p0 $0x10;
	p0 =	slt.s32 s23, $0x10;
	v4 =	vmov s21;
	v19 =	vld [tilespmem:s19+$0x0];
	v6 =	vshll.u32 v6, $0x7;
	v3 =	vand.u32 $0x1FFFFF8, v3  }
0x5e: {  	s28 =	simm.s32 $0x16960;
	s23 =	simm.s32 @!p0 $0x10;
	v7 =	vor.u32 v7, v16;
	v16 =	vshrl.u32 v9, $0x4;
	v3 =	vadd.s32 v10, v3  }
0x5f: {  	v23 =	vld [tilespmem:s28+$0xFFFFFFE0];
	v11 =	vadd.s32 v5, v10;
	v5 =	vmov s23;
	v3 =	vshll.u32 v3, $0x7  }
0x60: {  	v10 =	vld [tilespmem:s20+$0x80];
	v11 =	vshll.u32 v11, $0x7;
	v21 =	vor.u32 v15, v3;
	v3 =	vmov s22  }
0x61: {  	s22 =	sadd.s32 $0xFFFFFFE0, s17;
	v15 =	vand.u32 $0x7F, v17;
	v17 =	vld [tilespmem:s28+$0x10];
	v26 =	vadd.s32 $0x200, v11;
	v27 =	vshrl.u32 v24, $0x4  }
0x62: {  	v11 =	vld [tilespmem:s19+$0x80];
	vm5 =	vgt.s32 v3, v1;
	p0 =	slt.s32 s22, $0x10;
	v8 =	vand.u32 $0x7F, v19;
	v6 =	vor.u32 v15, v6  }
0x63: {  	s31 =	simm.s32 $0x50;
	[tilespmem:v13+s3+$0x0] =	vst.idx.add.f32.msk vm1, v2;
	v13 =	vshrl.u32 v20, $0x4;
	v19 =	vshrl.u32 v19, $0x4;
	vm3 =	vmand vm5, vm0;
	s22 =	simm.s32 @!p0 $0x10  }
0x64: {  	s20 =	sand.u32 $0x50, s31;
	vm0 =	veq.s32 v9, $0x0;
	v13 =	vand.u32 $0x1FFFFF8, v13;
	[tilespmem:v7+s3+$0x0] =	vst.idx.add.f32.msk vm4, v2;
	v15 =	vmov s22  }
0x65: {  	s18 =	sor.u32 s20, s25;
	v9 =	vadd.s32 v13, v23;
	v13 =	vand.u32 $0x1FFFFF8, v16;
	vm1 =	vgt.s32 v15, v1;
	v15 =	vld [tilespmem:s28+$0x0]  }
0x66: {  	v29 =	vand.u32 $0x1FFFFF8, v19;
	v16 =	vshll.u32 v9, $0x7;
	v9 =	vld [tilespmem:s18+$0x0];
	v23 =	vadd.s32 v23, v13  }
0x67: {  	v13 =	vand.u32 $0x7F, v24;
	v28 =	vadd.s32 $0x200, v16;
	v16 =	vand.u32 $0x7F, v10;
	[tilespmem:v6+s3+$0x0] =	vst.idx.add.f32.msk vm8, v2  }
0x68: {  	v63 =	vadd.s32 v29, v17;
	v6 =	vand.u32 $0x7F, v20;
	v20 =	vshrl.u32 v10, $0x4;
	[tilespmem:v12+s3+$0x0] =	vst.idx.add.f32.msk vm7, v2  }
0x69: {  	v7 =	vshll.u32 v23, $0x7;
	v19 =	vand.u32 $0x1FFFFF8, v20;
	v12 =	vld [tilespmem:s18+$0x80];
	v20 =	vor.u32 v18, v26  }
0x6a: {  	v3 =	vld [tilespmem:s28+$0xFFFFFFF0];
	v23 =	vshrl.u32 v11, $0x4;
	v7 =	vor.u32 v25, v7;
	v18 =	vand.u32 $0x1FFFFF8, v27  }
0x6b: {  	s21 =	sadd.s32 $0xFFFFFFC0, s17;
	[tilespmem:v21+s3+$0x0] =	vst.idx.add.f32.msk vm6, v2;
	v21 =	vshll.u32 v63, $0x7;
	v23 =	vand.u32 $0x1FFFFF8, v23;
	v18 =	vadd.s32 v18, v15  }
0x6c: {  	s20 =	simm.s32 $0x169A0;
	s19 =	simm.s32 $0xB0;
	p0 =	slt.s32 s17, $0x10;
	v6 =	vor.u32 v6, v28;
	[tilespmem:v22+s3+$0x0] =	vst.idx.add.f32.msk vm5, v2;
	v22 =	vshrl.u32 v9, $0x4;
	v18 =	vshll.u32 v18, $0x7  }
0x6d: {  	s22 =	simm.s32 $0x100;
	s17 =	simm.s32 @!p0 $0x10;
	s18 =	simm.s32 $0x4;
	v17 =	vadd.s32 v17, v23;
	[tilespmem:v14+s3+$0x0] =	vst.idx.add.f32.msk vm3, v2;
	v14 =	vand.u32 $0x1FFFFF8, v22;
	v18 =	vadd.s32 $0x200, v18  }
.LBB2_6:
0x6e: {  	s23 =	sadd.s32 $0xFFFFFFD0, s19;
	s24 =	sand.u32 $0x3F00, s22;
	s25 =	sadd.s32 $0xFFFFFFE0, s19;
	v22 =	vshrl.u32 v12, $0x4;
	vm8 =	veq.s32 v12, $0x0;
	vm6 =	veq.s32 v11, $0x0;
	[tilespmem:v20+s3+$0x0] =	vst.idx.add.f32.msk vm2, v2  }
0x6f: {  	s28 =	sadd.s32 $0xFFFFFFD0, s21;
	v15 =	vadd.s32 v15, v19;
	v19 =	vadd.s32 $0x200, v21;
	s23 =	sand.u32 $0x40, s23;
	s26 =	sor.u32 $0x14000, s24;
	v20 =	vld [tilespmem:s20+$0xFFFFFFF0];
	v22 =	vand.u32 $0x1FFFFF8, v22  }
0x70: {  	vm2 =	veq.s32 v10, $0x0;
	s25 =	sand.u32 $0x50, s25;
	s24 =	sadd.s32 $0xFFFFFFE0, s21;
	v15 =	vshll.u32 v15, $0x7;
	s29 =	sor.u32 s23, s26;
	v21 =	vadd.s32 v3, v22  }
0x71: {  	s30 =	sadd.s32 $0xFFFFFFF0, s19;
	v10 =	vand.u32 $0x7F, v12;
	p0 =	slt.s32 s28, $0x10;
	s23 =	sand.u32 $0x70, s19;
	v15 =	vor.u32 v16, v15;
	v22 =	vld [tilespmem:s29+$0x80];
	v12 =	vshll.u32 v21, $0x7  }
0x72: {  	s31 =	sadd.s32 $0xFFFFFFF0, s21;
	vm3 =	vmand vm1, vm2;
	v19 =	vor.u32 v8, v19;
	s28 =	simm.s32 @!p0 $0x10;
	s23 =	sor.u32 s23, s26;
	v21 =	vld [tilespmem:s20+$0xFFFFFFE0];
	v23 =	vor.u32 v10, v12  }
0x73: {  	p1 =	slt.s32 s31, $0x10;
	s30 =	sand.u32 $0x60, s30;
	p2 =	slt.s32 s24, $0x10;
	v8 =	vmov s28;
	v10 =	vmov s17;
	v24 =	vld [tilespmem:s23+$0x0]  }
0x74: {  	vm7 =	vgt.s32 v5, v1;
	v26 =	vand.u32 $0x7F, v9;
	p0 =	slt.s32 s21, $0x10;
	s17 =	sor.u32 s25, s26;
	s25 =	sor.u32 s30, s26;
	vm4 =	vgt.s32 v10, v1;
	v25 =	vld [tilespmem:s29+$0x0]  }
0x75: {  	s18 =	sadd.s32 $0x4, s18;
	v9 =	vadd.s32 v14, v3;
	v14 =	vor.u32 v13, v18;
	s31 =	simm.s32 @!p1 $0x10;
	s24 =	simm.s32 @!p2 $0x10;
	vm5 =	vmand vm4, vm0;
	v3 =	vmovc v20;
	v27 =	vld [tilespmem:s25+$0x0]  }
0x76: {  	vm9 =	vgt.s32 v4, v1;
	p1 =	slt.u32 s18, $0x144;
	v5 =	vmov s31;
	v4 =	vmovc v8;
	vm0 =	veq.s32 v22, $0x0;
	v10 =	vld [tilespmem:s25+$0x80]  }
0x77: {  	v11 =	vand.u32 $0x7F, v11;
	v13 =	vshll.u32 v17, $0x7;
	vm2 =	vmand vm7, vm8;
	v12 =	vld [tilespmem:s17+$0x80]  }
0x78: {  	v13 =	vor.u32 v11, v13;
	vm6 =	vmand vm9, vm6;
	v8 =	vand.u32 $0x7F, v24;
	[tilespmem:v15+s3+$0x0] =	vst.idx.add.f32.msk vm1, v2  }
0x79: {  	v16 =	vshll.u32 v9, $0x7;
	v15 =	vmov s24;
	v11 =	vshrl.u32 v25, $0x4;
	v17 =	vld [tilespmem:s20+$0x10]  }
0x7a: {  	v18 =	vshrl.u32 v22, $0x4;
	vm1 =	vgt.s32 v15, v1;
	v9 =	vand.u32 $0x1FFFFF8, v11;
	v15 =	vld [tilespmem:s20+$0x0]  }
0x7b: {  	v20 =	vadd.s32 $0x200, v16;
	v22 =	vand.u32 $0x7F, v22;
	v11 =	vadd.s32 v9, v21;
	v9 =	vld [tilespmem:s17+$0x0]  }
0x7c: {  	v18 =	vand.u32 $0x1FFFFF8, v18;
	v28 =	vshrl.u32 v27, $0x4;
	v16 =	vshll.u32 v11, $0x7;
	v11 =	vld [tilespmem:s23+$0x80]  }
0x7d: {  	v24 =	vshrl.u32 v24, $0x4;
	v29 =	vadd.s32 $0x200, v16;
	v16 =	vand.u32 $0x7F, v10;
	[tilespmem:v13+s3+$0x0] =	vst.idx.add.f32.msk vm9, v2  }
0x7e: {  	v25 =	vand.u32 $0x7F, v25;
	v24 =	vand.u32 $0x1FFFFF8, v24;
	v13 =	vshrl.u32 v10, $0x4;
	[tilespmem:v19+s3+$0x0] =	vst.idx.add.f32.msk vm6, v2  }
0x7f: {  	v18 =	vadd.s32 v21, v18;
	v19 =	vand.u32 $0x1FFFFF8, v13;
	v13 =	vand.u32 $0x7F, v27;
	[tilespmem:v14+s3+$0x0] =	vst.idx.add.f32.msk vm3, v2  }
.Ltmp2:
0x80: {  	v20 =	vor.u32 v26, v20;
	v21 =	vadd.s32 v24, v17;
	v14 =	vor.u32 v25, v29;
	(pc) =	sbr.rel @p1 .LBB2_6-.Ltmp2, $4  }
0x81: {  	v18 =	vshll.u32 v18, $0x7;
	v24 =	vand.u32 $0x1FFFFF8, v28;
	v25 =	vshrl.u32 v11, $0x4;
	[tilespmem:v23+s3+$0x0] =	vst.idx.add.f32.msk vm7, v2  }
0x82: {  	s19 =	sadd.s32 $0x40, s19;
	v21 =	vshll.u32 v21, $0x7;
	v23 =	vadd.s32 v24, v15;
	[tilespmem:v7+s3+$0x0] =	vst.idx.add.f32.msk vm4, v2;
	v7 =	vor.u32 v22, v18  }
0x83: {  	s20 =	sadd.s32 $0x40, s20;
	s17 =	smov.u32 s21;
	s23 =	sadd.s32 $0xFFFFFFC0, s21;
	v18 =	vshrl.u32 v9, $0x4;
	v22 =	vshll.u32 v23, $0x7;
	v23 =	vand.u32 $0x1FFFFF8, v25;
	[tilespmem:v6+s3+$0x0] =	vst.idx.add.f32.msk vm5, v2;
	v6 =	vmovc v14  }
0x84: {  	s22 =	sadd.s32 $0x80, s22;
	s17 =	simm.s32 @!p0 $0x10;
	s21 =	smov.u32 s23;
	v14 =	vand.u32 $0x1FFFFF8, v18;
	v18 =	vadd.s32 $0x200, v22;
	v17 =	vadd.s32 v17, v23  }
0x85: {  	v22 =	vshrl.u32 v12, $0x4;
	vm3 =	veq.s32 v11, $0x0;
	v15 =	vadd.s32 v15, v19  }
0x86: {  	v21 =	vadd.s32 $0x200, v21;
	vm4 =	veq.s32 v10, $0x0;
	vm5 =	vgt.s32 v4, v1  }
0x87: {  	v58 =	vand.u32 $0x7F, v11;
	v59 =	vshll.u32 v17, $0x7;
	v60 =	vand.u32 $0x7F, v12  }
0x88: {  	v62 =	vmov s17;
	v15 =	vshll.u32 v15, $0x7;
	v4 =	vor.u32 v58, v59  }
0x89: {  	vm14 =	vgt.s32 v5, v1;
	vm3 =	vmand vm5, vm3;
	v57 =	vor.u32 v16, v15  }
0x8a: {  	v63 =	vor.u32 v13, v18;
	v8 =	vor.u32 v8, v21;
	vm6 =	vgt.s32 v62, v1  }
0x8b: {  	vm7 =	veq.s32 v12, $0x0;
	v56 =	vand.u32 $0x1FFFFF8, v22;
	vm4 =	vmand vm1, vm4  }
0x8c: {  	[tilespmem:v20+s3+$0x0] =	vst.idx.add.f32.msk vm2, v2;
	v19 =	vadd.s32 v3, v56;
	v3 =	vadd.s32 v14, v3;
	vm0 =	vmand vm6, vm0  }
0x8d: {  	v9 =	vand.u32 $0x7F, v9;
	v61 =	vshll.u32 v19, $0x7;
	v3 =	vshll.u32 v3, $0x7;
	[tilespmem:v4+s3+$0x0] =	vst.idx.add.f32.msk vm5, v2  }
0x8e: {  	vm15 =	vmand vm14, vm7;
	v11 =	vor.u32 v60, v61;
	v3 =	vadd.s32 $0x200, v3;
	[tilespmem:v57+s3+$0x0] =	vst.idx.add.f32.msk vm1, v2  }
0x8f: {  	v3 =	vor.u32 v9, v3;
	[tilespmem:v8+s3+$0x0] =	vst.idx.add.f32.msk vm3, v2  }
0x90: {  	[tilespmem:v7+s3+$0x0] =	vst.idx.add.f32.msk vm6, v2  }
0x91: {  	[tilespmem:v63+s3+$0x0] =	vst.idx.add.f32.msk vm4, v2  }
0x92: {  	[tilespmem:v6+s3+$0x0] =	vst.idx.add.f32.msk vm0, v2  }
0x93: {  	[tilespmem:v11+s3+$0x0] =	vst.idx.add.f32.msk vm14, v2  }
0x94: {  	[tilespmem:v3+s3+$0x0] =	vst.idx.add.f32.msk vm15, v2  }
0x95: {  	[bflag:$0x0] =	sbarrier.arrive $0xFFFF  }
0x96: {  	[spmem:s2] =	stream.indirect.scatter.add.f32 [tilespmem:s3], [sflag:$0x1], $0x80, s15, s14, $0xb8;
	[tilespmem:$0x19400] =	vst v63  }
0x97: {  	_ =	swait.ge [sflag:s11], $0x14000  }
0x98: {  	s31 =	sshll.u32 s1, $0x6;
	s16 =	sadd.s32 $0x1, s16;
	[sflag:s11] =	ssyncset.done $0x0  }
0x99: {  	s18 =	sshrl.u32 s6, $0x3;
	p0 =	sne.s32 s16, s10;
	[sflag:s11] =	ssyncadd.s32 $0xFFFEC000  }
.Ltmp3:
0x9a: {  	s17 =	sor.u32 $0x1C01, s31;
	[bflag:$0x0] =	sbarrier.arrive $0xFFFF;
	(pc) =	sbr.rel @p0 .LBB2_1-.Ltmp3, $4  }
0x9b: {  	[hbm:s9], [sflag:s17] =	dma.local [spmem:s18], $0x280  }
0x9c: {  	_ =	swait.ge [sflag:s11], $0x280  }
0x9d: {  	[sflag:s11] =	ssyncset.done $0x0  }
0x9e: {  	[sflag:s11] =	ssyncadd.s32 $0xFFFFFD80  }
0x9f: {  	_ =	sfence.sel $0x180000  }
0xa0: {  	[bflag:$0x0] =	sbarrier.arrive $0xFFFF  }
0xa1: {  	p0 =	sne.s32 s1, $0x0;
	_ =	strace $0x90000047  }
0xa2: {  	s0 =	sadd.s32 @!p0 $0x100000, s0;
	[bflag:$0x2] =	sbarrier.arrive $0xFFFF  }
0xa3: {  	[sflag:s0] =	ssyncadd.tile.s32 @!p0 $0x1;
	_ =	shalt  }
.Lfunc_end2:
_tile_overlayer_lowered:
.L_overlay_start_2:
0xa4: {  	(tag) =	ssettag $0x2  }
0xa5: {  	s0 =	rddreg [dreg:$0x0];
	s2 =	stileid.u32  }
0xa6: {  	s1 =	rddreg [dreg:$0x1];
	p0 =	sne.s32 s2, $0x0  }
0xa7: {  	s3 =	rddreg [dreg:$0x2];
	[bflag:$0x3] =	sbarrier.arrive $0xFFFF;
	s2 =	simm.s32 @!p0 $0x1C01  }
0xa8: {  	[timem:s3], [sflag:s2] =	dma.local @!p0 [hbm:s0], s1  }
0xa9: {  	s0 =	simm.s32 @!p0 $0x1  }
0xaa: {  	_ =	swait.ge @!p0 [sflag:s0], s1  }
0xab: {  	s1 =	ssub.s32 @!p0 $0x0, s1;
	[sflag:s0] =	ssyncset.done @!p0 $0x0  }
0xac: {  	[sflag:s0] =	ssyncadd.s32 @!p0 s1  }
0xad: {  	[bflag:$0x3] =	sbarrier.arrive $0xFFFF  }
0xae: {  	_ =	shalt  }

</sc_bundles>
